<compile_context>
chip_gen: v7x
topology: tpu7x:2x2x1
jax: 0.10.2.dev20260603
libtpu: 0.0.44.dev20260713+nightly
codegen_flags: <defaults>
</compile_context>

<pallas_src>
import functools

import jax
import jax.numpy as jnp
from jax import lax
from jax.experimental import pallas as pl
from jax.experimental.pallas import tpu as pltpu
from jax.experimental.pallas import tpu_sc as plsc

_B = 4096
_L = 200
_D = 64
_HIDDEN = 256
_NCLS = 2

_NC = 2
_NS = 16
_NW = _NC * _NS
_RPW = _B // _NW
_IPW = _RPW * _L
_NBUF = 2
_C = 2 * _L
_NCH = _IPW // _C


def _sc_pool(ids_w, ids_b, ids_t, emb_w, emb_b, emb_t):
    mesh = plsc.VectorSubcoreMesh(
        core_axis_name="c", subcore_axis_name="s",
        num_cores=_NC, num_subcores=_NS)

    out_type = (
        jax.ShapeDtypeStruct((_B, _D), jnp.float32),
        jax.ShapeDtypeStruct((_B, _D), jnp.float32),
        jax.ShapeDtypeStruct((_B, _D), jnp.float32),
    )

    scratch = [
        pltpu.VMEM((_IPW,), jnp.int32),
        pltpu.VMEM((_IPW,), jnp.int32),
        pltpu.VMEM((_C, _D), jnp.float32),
        pltpu.VMEM((_C, _D), jnp.float32),
        pltpu.VMEM((32, _D), jnp.float32),
        pltpu.SemaphoreType.DMA,
        pltpu.SemaphoreType.DMA,
        pltpu.VMEM_SHARED((_NS * _RPW, _D), jnp.float32),
        pltpu.VMEM_SHARED((_NS * _RPW, _D), jnp.float32),
        pltpu.VMEM_SHARED((_NS * _RPW, _D), jnp.float32),
    ]

    @functools.partial(pl.kernel, mesh=mesh, out_type=out_type,
                       scratch_types=scratch,
                       compiler_params=pltpu.CompilerParams(
                           use_tc_tiling_on_sc=False))
    def k(ids_w_h, ids_b_h, ids_t_h, emb_w_h, emb_b_h, emb_t_h,
          out_w_h, out_b_h, out_t_h,
          idx_v, bag_v, rows_v0, rows_v1, tmp_v, sem0, sem1,
          acc_w, acc_b, acc_t):
        rows = (rows_v0, rows_v1)
        sems = (sem0, sem1)
        cid = lax.axis_index("c")
        sid = lax.axis_index("s")
        wid = cid * _NS + sid
        sbase = pl.multiple_of(sid * _RPW, _RPW)
        gbase = pl.multiple_of(wid * _RPW, _RPW)
        ibase = pl.multiple_of(wid * _IPW, _IPW)

        lanes = lax.iota(jnp.int32, 16)
        blocks = [jnp.where(lanes + 16 * j >= _L, 1, 0).astype(jnp.int32)
                  for j in range(_C // 16)]

        @pl.loop(0, _RPW // 2)
        def _(p):
            off = pl.multiple_of(p * _C, 16)
            v0 = sbase + p * 2
            for j in range(_C // 16):
                bag_v[pl.ds(off + 16 * j, 16)] = blocks[j] + v0

        @pl.loop(0, 32)
        def _(r):
            for o in range(0, _D, 16):
                tmp_v[r, pl.ds(o, 16)] = jnp.float32(0.0) * lanes

        for acc in (acc_w, acc_b, acc_t):
            for r0 in range(0, _RPW, 32):
                pltpu.sync_copy(tmp_v, acc.at[pl.ds(sbase + r0, 32)])

        for ids_h, emb_h, acc in ((ids_w_h, emb_w_h, acc_w),
                                  (ids_b_h, emb_b_h, acc_b),
                                  (ids_t_h, emb_t_h, acc_t)):
            pltpu.sync_copy(ids_h.at[pl.ds(ibase, _IPW)], idx_v)

            def gcopy(c, b, _emb_h=emb_h):
                off = pl.multiple_of(c * _C, 16)
                return pltpu.make_async_copy(
                    _emb_h.at[idx_v.at[pl.ds(off, _C)]], rows[b], sems[b])

            def scatter(c, b, _acc=acc):
                off = pl.multiple_of(c * _C, 16)
                pltpu.sync_copy(rows[b], _acc.at[bag_v.at[pl.ds(off, _C)]],
                                add=True)

            for b in range(_NBUF):
                gcopy(b, b).start()

            @pl.loop(0, _NCH - _NBUF, step=_NBUF)
            def _(c0):
                for b in range(_NBUF):
                    c = c0 + b
                    gcopy(0, b).wait()
                    scatter(c, b)
                    gcopy(c + _NBUF, b).start()

            for b in range(_NBUF):
                c = _NCH - _NBUF + b
                gcopy(0, b).wait()
                scatter(c, b)

        for acc, out_h in ((acc_w, out_w_h), (acc_b, out_b_h),
                           (acc_t, out_t_h)):
            pltpu.sync_copy(acc.at[pl.ds(sbase, _RPW)],
                            out_h.at[pl.ds(gbase, _RPW)])

    return k(ids_w, ids_b, ids_t, emb_w, emb_b, emb_t)


def _mlp_body(xw_ref, xb_ref, xt_ref, w1_ref, b1_ref, w2_ref, b2_ref,
              out_ref):
    scale = jnp.float32(1.0 / _L)
    h = jnp.dot(xw_ref[...], w1_ref[0:_D, :],
                preferred_element_type=jnp.float32)
    h += jnp.dot(xb_ref[...], w1_ref[_D:2 * _D, :],
                 preferred_element_type=jnp.float32)
    h += jnp.dot(xt_ref[...], w1_ref[2 * _D:3 * _D, :],
                 preferred_element_type=jnp.float32)
    h = h * scale + b1_ref[...]
    h = jnp.maximum(h, 0.0)
    out_ref[...] = jnp.dot(h, w2_ref[...],
                           preferred_element_type=jnp.float32) + b2_ref[...]


def _mlp(xw, xb, xt, w1, b1, w2p, b2p):
    blk = 512
    grid = (_B // blk,)
    return pl.pallas_call(
        _mlp_body,
        grid=grid,
        in_specs=[
            pl.BlockSpec((blk, _D), lambda i: (i, 0)),
            pl.BlockSpec((blk, _D), lambda i: (i, 0)),
            pl.BlockSpec((blk, _D), lambda i: (i, 0)),
            pl.BlockSpec((3 * _D, _HIDDEN), lambda i: (0, 0)),
            pl.BlockSpec((1, _HIDDEN), lambda i: (0, 0)),
            pl.BlockSpec((_HIDDEN, 128), lambda i: (0, 0)),
            pl.BlockSpec((1, 128), lambda i: (0, 0)),
        ],
        out_specs=pl.BlockSpec((blk, 128), lambda i: (i, 0)),
        out_shape=jax.ShapeDtypeStruct((_B, 128), jnp.float32),
    )(xw, xb, xt, w1, b1, w2p, b2p)


def kernel(input_ids, bigram, trigram, seq_len, emb_word, emb_bi, emb_tri,
           W1, b1, W2, b2):
    del seq_len
    xw, xb, xt = _sc_pool(input_ids.reshape(-1), bigram.reshape(-1),
                          trigram.reshape(-1), emb_word, emb_bi, emb_tri)

    w2p = jnp.zeros((_HIDDEN, 128), jnp.float32).at[:, :_NCLS].set(W2)
    b2p = jnp.zeros((1, 128), jnp.float32).at[0, :_NCLS].set(b2)
    out = _mlp(xw, xb, xt, W1, b1.reshape(1, _HIDDEN), w2p, b2p)
    return out[:, :_NCLS]

# --- scband reference (transcript-rebuilt; emitter-appended) ---
"""Pipeline reference for scband-model-88003879895571 (READ-ONLY COPY).

The authoritative reference and input builder live on the scoring server;
editing this copy changes nothing except your own understanding.
"""

import jax, jax.numpy as jnp
import numpy as np

N_VOCAB = 1000000
NGRAM_VOCAB = 100000
EMBED_DIM = 64
HIDDEN = 256
NUM_CLASSES = 2
B = 4096
L = 200
PAD_IDX = N_VOCAB - 2


def setup_inputs(seed: int = 0) -> dict:
    key = jax.random.key(seed)
    ks = jax.random.split(key, 12)
    input_ids = jax.random.randint(ks[0], (B, L), 0, N_VOCAB, dtype=jnp.int32)
    bigram = jax.random.randint(ks[1], (B, L), 0, NGRAM_VOCAB, dtype=jnp.int32)
    trigram = jax.random.randint(ks[2], (B, L), 0, NGRAM_VOCAB, dtype=jnp.int32)
    seq_len = jax.random.randint(ks[3], (B,), 1, L, dtype=jnp.int32)
    emb_word = jax.random.normal(ks[4], (N_VOCAB, EMBED_DIM), dtype=jnp.float32) * 0.02
    emb_word = emb_word.at[PAD_IDX].set(0.0)  # padding_idx row zeroed
    emb_bi = jax.random.normal(ks[5], (NGRAM_VOCAB, EMBED_DIM), dtype=jnp.float32) * 0.02
    emb_tri = jax.random.normal(ks[6], (NGRAM_VOCAB, EMBED_DIM), dtype=jnp.float32) * 0.02
    W1 = jax.random.normal(ks[7], (EMBED_DIM * 3, HIDDEN), dtype=jnp.float32) * (1.0 / np.sqrt(EMBED_DIM * 3))
    b1 = jnp.zeros((HIDDEN,), dtype=jnp.float32)
    W2 = jax.random.normal(ks[8], (HIDDEN, NUM_CLASSES), dtype=jnp.float32) * (1.0 / np.sqrt(HIDDEN))
    b2 = jnp.zeros((NUM_CLASSES,), dtype=jnp.float32)
    return {
        "input_ids": input_ids,
        "bigram": bigram,
        "trigram": trigram,
        "seq_len": seq_len,
        "emb_word": emb_word,
        "emb_bi": emb_bi,
        "emb_tri": emb_tri,
        "W1": W1,
        "b1": b1,
        "W2": W2,
        "b2": b2,
    }


def reference(input_ids, bigram, trigram, seq_len, emb_word, emb_bi, emb_tri, W1, b1, W2, b2):
    # embedding lookups (gather)
    word_embedding = jnp.take(emb_word, input_ids, axis=0)   # [B, L, D]
    bigram_embedding = jnp.take(emb_bi, bigram, axis=0)      # [B, L, D]
    trigram_embedding = jnp.take(emb_tri, trigram, axis=0)   # [B, L, D]
    out = jnp.concatenate((word_embedding, bigram_embedding, trigram_embedding), axis=-1)  # [B, L, 3D]
    out = out.mean(axis=1)  # [B, 3D]
    # dropout is identity in eval mode
    out = out @ W1 + b1
    out = jnp.maximum(out, 0.0)
    out = out @ W2 + b2
    return out

if __name__ == "__main__":
    import jax
    _d = setup_inputs()
    print(jax.jit(kernel)(*tuple(_d.values())))

</pallas_src>

<mosaic_0001>
#map = affine_map<(d0, d1) -> (0)>
#map1 = affine_map<(d0, d1) -> (0, 0)>
module attributes {stable_mosaic.version = 14 : i64} {
  func.func @k(%arg0: i32, %arg1: i32, %arg2: memref<819200xi32, #tpu.memory_space<hbm>>, %arg3: memref<819200xi32, #tpu.memory_space<hbm>>, %arg4: memref<819200xi32, #tpu.memory_space<hbm>>, %arg5: memref<1000000x64xf32, #tpu.memory_space<hbm>>, %arg6: memref<100000x64xf32, #tpu.memory_space<hbm>>, %arg7: memref<100000x64xf32, #tpu.memory_space<hbm>>, %arg8: memref<4096x64xf32, #tpu.memory_space<hbm>>, %arg9: memref<4096x64xf32, #tpu.memory_space<hbm>>, %arg10: memref<4096x64xf32, #tpu.memory_space<hbm>>, %arg11: memref<25600xi32, #tpu.memory_space<vmem>>, %arg12: memref<25600xi32, #tpu.memory_space<vmem>>, %arg13: memref<400x64xf32, #tpu.memory_space<vmem>>, %arg14: memref<400x64xf32, #tpu.memory_space<vmem>>, %arg15: memref<32x64xf32, #tpu.memory_space<vmem>>, %arg16: memref<!tpu.dma_semaphore, #tpu.memory_space<semaphore_mem>>, %arg17: memref<!tpu.dma_semaphore, #tpu.memory_space<semaphore_mem>>, %arg18: memref<2048x64xf32, #tpu.memory_space<vmem_shared>>, %arg19: memref<2048x64xf32, #tpu.memory_space<vmem_shared>>, %arg20: memref<2048x64xf32, #tpu.memory_space<vmem_shared>>) attributes {dimension_semantics = [#tpu.dimension_semantics<core_parallel>, #tpu.dimension_semantics<subcore_parallel>], iteration_bounds = array<i64: 2, 16>, scalar_prefetch = 0 : i64, scratch_operands = 10 : i64, tpu.core_type = #tpu.core_type<sc_vector_subcore>, window_params = [{transform_indices = #map}, {transform_indices = #map}, {transform_indices = #map}, {transform_indices = #map1}, {transform_indices = #map1}, {transform_indices = #map1}, {transform_indices = #map1}, {transform_indices = #map1}, {transform_indices = #map1}]} {
    %mul3A = arith.constant 16 : i32
    %mul3A_0 = arith.muli %arg0, %mul3A : i32
    %add3A = arith.addi %mul3A_0, %arg1 : i32
    %mul3A_1 = arith.constant 128 : i32
    %mul3A_2 = arith.muli %arg1, %mul3A_1 : i32
    %multiple_of3A = tpu.assume_multiple %mul3A_2, 128 : i32
    %mul3A_3 = arith.constant 128 : i32
    %mul3A_4 = arith.muli %add3A, %mul3A_3 : i32
    %multiple_of3A_5 = tpu.assume_multiple %mul3A_4, 128 : i32
    %mul3A_6 = arith.constant 25600 : i32
    %mul3A_7 = arith.muli %add3A, %mul3A_6 : i32
    %multiple_of3A_8 = tpu.assume_multiple %mul3A_7, 25600 : i32
    %iota3A = tpu.iota {dimensions = array<i32: 0>} : vector<16xi32>
    %add3A_9 = arith.constant 0 : i32
    %add3A_10 = vector.broadcast %add3A_9 : i32 to vector<16xi32>
    %add3A_11 = arith.addi %iota3A, %add3A_10 : vector<16xi32>
    %ge3A = arith.constant 200 : i32
    %ge3A_12 = vector.broadcast %ge3A : i32 to vector<16xi32>
    %ge3A_13 = arith.cmpi sge, %add3A_11, %ge3A_12 : vector<16xi32>
    %jit3A = arith.constant 1 : i32
    %jit3A_14 = arith.constant 0 : i32
    %broadcast_in_dim3A = vector.broadcast %jit3A : i32 to vector<16xi32>
    %broadcast_in_dim3A_15 = vector.broadcast %jit3A_14 : i32 to vector<16xi32>
    %select_n3A = arith.select %ge3A_13, %broadcast_in_dim3A, %broadcast_in_dim3A_15 : vector<16xi1>, vector<16xi32>
    %add3A_16 = arith.constant 16 : i32
    %add3A_17 = vector.broadcast %add3A_16 : i32 to vector<16xi32>
    %add3A_18 = arith.addi %iota3A, %add3A_17 : vector<16xi32>
    %ge3A_19 = arith.constant 200 : i32
    %ge3A_20 = vector.broadcast %ge3A_19 : i32 to vector<16xi32>
    %ge3A_21 = arith.cmpi sge, %add3A_18, %ge3A_20 : vector<16xi32>
    %jit3A_22 = arith.constant 1 : i32
    %jit3A_23 = arith.constant 0 : i32
    %broadcast_in_dim3A_24 = vector.broadcast %jit3A_22 : i32 to vector<16xi32>
    %broadcast_in_dim3A_25 = vector.broadcast %jit3A_23 : i32 to vector<16xi32>
    %select_n3A_26 = arith.select %ge3A_21, %broadcast_in_dim3A_24, %broadcast_in_dim3A_25 : vector<16xi1>, vector<16xi32>
    %add3A_27 = arith.constant 32 : i32
    %add3A_28 = vector.broadcast %add3A_27 : i32 to vector<16xi32>
    %add3A_29 = arith.addi %iota3A, %add3A_28 : vector<16xi32>
    %ge3A_30 = arith.constant 200 : i32
    %ge3A_31 = vector.broadcast %ge3A_30 : i32 to vector<16xi32>
    %ge3A_32 = arith.cmpi sge, %add3A_29, %ge3A_31 : vector<16xi32>
    %jit3A_33 = arith.constant 1 : i32
    %jit3A_34 = arith.constant 0 : i32
    %broadcast_in_dim3A_35 = vector.broadcast %jit3A_33 : i32 to vector<16xi32>
    %broadcast_in_dim3A_36 = vector.broadcast %jit3A_34 : i32 to vector<16xi32>
    %select_n3A_37 = arith.select %ge3A_32, %broadcast_in_dim3A_35, %broadcast_in_dim3A_36 : vector<16xi1>, vector<16xi32>
    %add3A_38 = arith.constant 48 : i32
    %add3A_39 = vector.broadcast %add3A_38 : i32 to vector<16xi32>
    %add3A_40 = arith.addi %iota3A, %add3A_39 : vector<16xi32>
    %ge3A_41 = arith.constant 200 : i32
    %ge3A_42 = vector.broadcast %ge3A_41 : i32 to vector<16xi32>
    %ge3A_43 = arith.cmpi sge, %add3A_40, %ge3A_42 : vector<16xi32>
    %jit3A_44 = arith.constant 1 : i32
    %jit3A_45 = arith.constant 0 : i32
    %broadcast_in_dim3A_46 = vector.broadcast %jit3A_44 : i32 to vector<16xi32>
    %broadcast_in_dim3A_47 = vector.broadcast %jit3A_45 : i32 to vector<16xi32>
    %select_n3A_48 = arith.select %ge3A_43, %broadcast_in_dim3A_46, %broadcast_in_dim3A_47 : vector<16xi1>, vector<16xi32>
    %add3A_49 = arith.constant 64 : i32
    %add3A_50 = vector.broadcast %add3A_49 : i32 to vector<16xi32>
    %add3A_51 = arith.addi %iota3A, %add3A_50 : vector<16xi32>
    %ge3A_52 = arith.constant 200 : i32
    %ge3A_53 = vector.broadcast %ge3A_52 : i32 to vector<16xi32>
    %ge3A_54 = arith.cmpi sge, %add3A_51, %ge3A_53 : vector<16xi32>
    %jit3A_55 = arith.constant 1 : i32
    %jit3A_56 = arith.constant 0 : i32
    %broadcast_in_dim3A_57 = vector.broadcast %jit3A_55 : i32 to vector<16xi32>
    %broadcast_in_dim3A_58 = vector.broadcast %jit3A_56 : i32 to vector<16xi32>
    %select_n3A_59 = arith.select %ge3A_54, %broadcast_in_dim3A_57, %broadcast_in_dim3A_58 : vector<16xi1>, vector<16xi32>
    %add3A_60 = arith.constant 80 : i32
    %add3A_61 = vector.broadcast %add3A_60 : i32 to vector<16xi32>
    %add3A_62 = arith.addi %iota3A, %add3A_61 : vector<16xi32>
    %ge3A_63 = arith.constant 200 : i32
    %ge3A_64 = vector.broadcast %ge3A_63 : i32 to vector<16xi32>
    %ge3A_65 = arith.cmpi sge, %add3A_62, %ge3A_64 : vector<16xi32>
    %jit3A_66 = arith.constant 1 : i32
    %jit3A_67 = arith.constant 0 : i32
    %broadcast_in_dim3A_68 = vector.broadcast %jit3A_66 : i32 to vector<16xi32>
    %broadcast_in_dim3A_69 = vector.broadcast %jit3A_67 : i32 to vector<16xi32>
    %select_n3A_70 = arith.select %ge3A_65, %broadcast_in_dim3A_68, %broadcast_in_dim3A_69 : vector<16xi1>, vector<16xi32>
    %add3A_71 = arith.constant 96 : i32
    %add3A_72 = vector.broadcast %add3A_71 : i32 to vector<16xi32>
    %add3A_73 = arith.addi %iota3A, %add3A_72 : vector<16xi32>
    %ge3A_74 = arith.constant 200 : i32
    %ge3A_75 = vector.broadcast %ge3A_74 : i32 to vector<16xi32>
    %ge3A_76 = arith.cmpi sge, %add3A_73, %ge3A_75 : vector<16xi32>
    %jit3A_77 = arith.constant 1 : i32
    %jit3A_78 = arith.constant 0 : i32
    %broadcast_in_dim3A_79 = vector.broadcast %jit3A_77 : i32 to vector<16xi32>
    %broadcast_in_dim3A_80 = vector.broadcast %jit3A_78 : i32 to vector<16xi32>
    %select_n3A_81 = arith.select %ge3A_76, %broadcast_in_dim3A_79, %broadcast_in_dim3A_80 : vector<16xi1>, vector<16xi32>
    %add3A_82 = arith.constant 112 : i32
    %add3A_83 = vector.broadcast %add3A_82 : i32 to vector<16xi32>
    %add3A_84 = arith.addi %iota3A, %add3A_83 : vector<16xi32>
    %ge3A_85 = arith.constant 200 : i32
    %ge3A_86 = vector.broadcast %ge3A_85 : i32 to vector<16xi32>
    %ge3A_87 = arith.cmpi sge, %add3A_84, %ge3A_86 : vector<16xi32>
    %jit3A_88 = arith.constant 1 : i32
    %jit3A_89 = arith.constant 0 : i32
    %broadcast_in_dim3A_90 = vector.broadcast %jit3A_88 : i32 to vector<16xi32>
    %broadcast_in_dim3A_91 = vector.broadcast %jit3A_89 : i32 to vector<16xi32>
    %select_n3A_92 = arith.select %ge3A_87, %broadcast_in_dim3A_90, %broadcast_in_dim3A_91 : vector<16xi1>, vector<16xi32>
    %add3A_93 = arith.constant 128 : i32
    %add3A_94 = vector.broadcast %add3A_93 : i32 to vector<16xi32>
    %add3A_95 = arith.addi %iota3A, %add3A_94 : vector<16xi32>
    %ge3A_96 = arith.constant 200 : i32
    %ge3A_97 = vector.broadcast %ge3A_96 : i32 to vector<16xi32>
    %ge3A_98 = arith.cmpi sge, %add3A_95, %ge3A_97 : vector<16xi32>
    %jit3A_99 = arith.constant 1 : i32
    %jit3A_100 = arith.constant 0 : i32
    %broadcast_in_dim3A_101 = vector.broadcast %jit3A_99 : i32 to vector<16xi32>
    %broadcast_in_dim3A_102 = vector.broadcast %jit3A_100 : i32 to vector<16xi32>
    %select_n3A_103 = arith.select %ge3A_98, %broadcast_in_dim3A_101, %broadcast_in_dim3A_102 : vector<16xi1>, vector<16xi32>
    %add3A_104 = arith.constant 144 : i32
    %add3A_105 = vector.broadcast %add3A_104 : i32 to vector<16xi32>
    %add3A_106 = arith.addi %iota3A, %add3A_105 : vector<16xi32>
    %ge3A_107 = arith.constant 200 : i32
    %ge3A_108 = vector.broadcast %ge3A_107 : i32 to vector<16xi32>
    %ge3A_109 = arith.cmpi sge, %add3A_106, %ge3A_108 : vector<16xi32>
    %jit3A_110 = arith.constant 1 : i32
    %jit3A_111 = arith.constant 0 : i32
    %broadcast_in_dim3A_112 = vector.broadcast %jit3A_110 : i32 to vector<16xi32>
    %broadcast_in_dim3A_113 = vector.broadcast %jit3A_111 : i32 to vector<16xi32>
    %select_n3A_114 = arith.select %ge3A_109, %broadcast_in_dim3A_112, %broadcast_in_dim3A_113 : vector<16xi1>, vector<16xi32>
    %add3A_115 = arith.constant 160 : i32
    %add3A_116 = vector.broadcast %add3A_115 : i32 to vector<16xi32>
    %add3A_117 = arith.addi %iota3A, %add3A_116 : vector<16xi32>
    %ge3A_118 = arith.constant 200 : i32
    %ge3A_119 = vector.broadcast %ge3A_118 : i32 to vector<16xi32>
    %ge3A_120 = arith.cmpi sge, %add3A_117, %ge3A_119 : vector<16xi32>
    %jit3A_121 = arith.constant 1 : i32
    %jit3A_122 = arith.constant 0 : i32
    %broadcast_in_dim3A_123 = vector.broadcast %jit3A_121 : i32 to vector<16xi32>
    %broadcast_in_dim3A_124 = vector.broadcast %jit3A_122 : i32 to vector<16xi32>
    %select_n3A_125 = arith.select %ge3A_120, %broadcast_in_dim3A_123, %broadcast_in_dim3A_124 : vector<16xi1>, vector<16xi32>
    %add3A_126 = arith.constant 176 : i32
    %add3A_127 = vector.broadcast %add3A_126 : i32 to vector<16xi32>
    %add3A_128 = arith.addi %iota3A, %add3A_127 : vector<16xi32>
    %ge3A_129 = arith.constant 200 : i32
    %ge3A_130 = vector.broadcast %ge3A_129 : i32 to vector<16xi32>
    %ge3A_131 = arith.cmpi sge, %add3A_128, %ge3A_130 : vector<16xi32>
    %jit3A_132 = arith.constant 1 : i32
    %jit3A_133 = arith.constant 0 : i32
    %broadcast_in_dim3A_134 = vector.broadcast %jit3A_132 : i32 to vector<16xi32>
    %broadcast_in_dim3A_135 = vector.broadcast %jit3A_133 : i32 to vector<16xi32>
    %select_n3A_136 = arith.select %ge3A_131, %broadcast_in_dim3A_134, %broadcast_in_dim3A_135 : vector<16xi1>, vector<16xi32>
    %add3A_137 = arith.constant 192 : i32
    %add3A_138 = vector.broadcast %add3A_137 : i32 to vector<16xi32>
    %add3A_139 = arith.addi %iota3A, %add3A_138 : vector<16xi32>
    %ge3A_140 = arith.constant 200 : i32
    %ge3A_141 = vector.broadcast %ge3A_140 : i32 to vector<16xi32>
    %ge3A_142 = arith.cmpi sge, %add3A_139, %ge3A_141 : vector<16xi32>
    %jit3A_143 = arith.constant 1 : i32
    %jit3A_144 = arith.constant 0 : i32
    %broadcast_in_dim3A_145 = vector.broadcast %jit3A_143 : i32 to vector<16xi32>
    %broadcast_in_dim3A_146 = vector.broadcast %jit3A_144 : i32 to vector<16xi32>
    %select_n3A_147 = arith.select %ge3A_142, %broadcast_in_dim3A_145, %broadcast_in_dim3A_146 : vector<16xi1>, vector<16xi32>
    %add3A_148 = arith.constant 208 : i32
    %add3A_149 = vector.broadcast %add3A_148 : i32 to vector<16xi32>
    %add3A_150 = arith.addi %iota3A, %add3A_149 : vector<16xi32>
    %ge3A_151 = arith.constant 200 : i32
    %ge3A_152 = vector.broadcast %ge3A_151 : i32 to vector<16xi32>
    %ge3A_153 = arith.cmpi sge, %add3A_150, %ge3A_152 : vector<16xi32>
    %jit3A_154 = arith.constant 1 : i32
    %jit3A_155 = arith.constant 0 : i32
    %broadcast_in_dim3A_156 = vector.broadcast %jit3A_154 : i32 to vector<16xi32>
    %broadcast_in_dim3A_157 = vector.broadcast %jit3A_155 : i32 to vector<16xi32>
    %select_n3A_158 = arith.select %ge3A_153, %broadcast_in_dim3A_156, %broadcast_in_dim3A_157 : vector<16xi1>, vector<16xi32>
    %add3A_159 = arith.constant 224 : i32
    %add3A_160 = vector.broadcast %add3A_159 : i32 to vector<16xi32>
    %add3A_161 = arith.addi %iota3A, %add3A_160 : vector<16xi32>
    %ge3A_162 = arith.constant 200 : i32
    %ge3A_163 = vector.broadcast %ge3A_162 : i32 to vector<16xi32>
    %ge3A_164 = arith.cmpi sge, %add3A_161, %ge3A_163 : vector<16xi32>
    %jit3A_165 = arith.constant 1 : i32
    %jit3A_166 = arith.constant 0 : i32
    %broadcast_in_dim3A_167 = vector.broadcast %jit3A_165 : i32 to vector<16xi32>
    %broadcast_in_dim3A_168 = vector.broadcast %jit3A_166 : i32 to vector<16xi32>
    %select_n3A_169 = arith.select %ge3A_164, %broadcast_in_dim3A_167, %broadcast_in_dim3A_168 : vector<16xi1>, vector<16xi32>
    %add3A_170 = arith.constant 240 : i32
    %add3A_171 = vector.broadcast %add3A_170 : i32 to vector<16xi32>
    %add3A_172 = arith.addi %iota3A, %add3A_171 : vector<16xi32>
    %ge3A_173 = arith.constant 200 : i32
    %ge3A_174 = vector.broadcast %ge3A_173 : i32 to vector<16xi32>
    %ge3A_175 = arith.cmpi sge, %add3A_172, %ge3A_174 : vector<16xi32>
    %jit3A_176 = arith.constant 1 : i32
    %jit3A_177 = arith.constant 0 : i32
    %broadcast_in_dim3A_178 = vector.broadcast %jit3A_176 : i32 to vector<16xi32>
    %broadcast_in_dim3A_179 = vector.broadcast %jit3A_177 : i32 to vector<16xi32>
    %select_n3A_180 = arith.select %ge3A_175, %broadcast_in_dim3A_178, %broadcast_in_dim3A_179 : vector<16xi1>, vector<16xi32>
    %add3A_181 = arith.constant 256 : i32
    %add3A_182 = vector.broadcast %add3A_181 : i32 to vector<16xi32>
    %add3A_183 = arith.addi %iota3A, %add3A_182 : vector<16xi32>
    %ge3A_184 = arith.constant 200 : i32
    %ge3A_185 = vector.broadcast %ge3A_184 : i32 to vector<16xi32>
    %ge3A_186 = arith.cmpi sge, %add3A_183, %ge3A_185 : vector<16xi32>
    %jit3A_187 = arith.constant 1 : i32
    %jit3A_188 = arith.constant 0 : i32
    %broadcast_in_dim3A_189 = vector.broadcast %jit3A_187 : i32 to vector<16xi32>
    %broadcast_in_dim3A_190 = vector.broadcast %jit3A_188 : i32 to vector<16xi32>
    %select_n3A_191 = arith.select %ge3A_186, %broadcast_in_dim3A_189, %broadcast_in_dim3A_190 : vector<16xi1>, vector<16xi32>
    %add3A_192 = arith.constant 272 : i32
    %add3A_193 = vector.broadcast %add3A_192 : i32 to vector<16xi32>
    %add3A_194 = arith.addi %iota3A, %add3A_193 : vector<16xi32>
    %ge3A_195 = arith.constant 200 : i32
    %ge3A_196 = vector.broadcast %ge3A_195 : i32 to vector<16xi32>
    %ge3A_197 = arith.cmpi sge, %add3A_194, %ge3A_196 : vector<16xi32>
    %jit3A_198 = arith.constant 1 : i32
    %jit3A_199 = arith.constant 0 : i32
    %broadcast_in_dim3A_200 = vector.broadcast %jit3A_198 : i32 to vector<16xi32>
    %broadcast_in_dim3A_201 = vector.broadcast %jit3A_199 : i32 to vector<16xi32>
    %select_n3A_202 = arith.select %ge3A_197, %broadcast_in_dim3A_200, %broadcast_in_dim3A_201 : vector<16xi1>, vector<16xi32>
    %add3A_203 = arith.constant 288 : i32
    %add3A_204 = vector.broadcast %add3A_203 : i32 to vector<16xi32>
    %add3A_205 = arith.addi %iota3A, %add3A_204 : vector<16xi32>
    %ge3A_206 = arith.constant 200 : i32
    %ge3A_207 = vector.broadcast %ge3A_206 : i32 to vector<16xi32>
    %ge3A_208 = arith.cmpi sge, %add3A_205, %ge3A_207 : vector<16xi32>
    %jit3A_209 = arith.constant 1 : i32
    %jit3A_210 = arith.constant 0 : i32
    %broadcast_in_dim3A_211 = vector.broadcast %jit3A_209 : i32 to vector<16xi32>
    %broadcast_in_dim3A_212 = vector.broadcast %jit3A_210 : i32 to vector<16xi32>
    %select_n3A_213 = arith.select %ge3A_208, %broadcast_in_dim3A_211, %broadcast_in_dim3A_212 : vector<16xi1>, vector<16xi32>
    %add3A_214 = arith.constant 304 : i32
    %add3A_215 = vector.broadcast %add3A_214 : i32 to vector<16xi32>
    %add3A_216 = arith.addi %iota3A, %add3A_215 : vector<16xi32>
    %ge3A_217 = arith.constant 200 : i32
    %ge3A_218 = vector.broadcast %ge3A_217 : i32 to vector<16xi32>
    %ge3A_219 = arith.cmpi sge, %add3A_216, %ge3A_218 : vector<16xi32>
    %jit3A_220 = arith.constant 1 : i32
    %jit3A_221 = arith.constant 0 : i32
    %broadcast_in_dim3A_222 = vector.broadcast %jit3A_220 : i32 to vector<16xi32>
    %broadcast_in_dim3A_223 = vector.broadcast %jit3A_221 : i32 to vector<16xi32>
    %select_n3A_224 = arith.select %ge3A_219, %broadcast_in_dim3A_222, %broadcast_in_dim3A_223 : vector<16xi1>, vector<16xi32>
    %add3A_225 = arith.constant 320 : i32
    %add3A_226 = vector.broadcast %add3A_225 : i32 to vector<16xi32>
    %add3A_227 = arith.addi %iota3A, %add3A_226 : vector<16xi32>
    %ge3A_228 = arith.constant 200 : i32
    %ge3A_229 = vector.broadcast %ge3A_228 : i32 to vector<16xi32>
    %ge3A_230 = arith.cmpi sge, %add3A_227, %ge3A_229 : vector<16xi32>
    %jit3A_231 = arith.constant 1 : i32
    %jit3A_232 = arith.constant 0 : i32
    %broadcast_in_dim3A_233 = vector.broadcast %jit3A_231 : i32 to vector<16xi32>
    %broadcast_in_dim3A_234 = vector.broadcast %jit3A_232 : i32 to vector<16xi32>
    %select_n3A_235 = arith.select %ge3A_230, %broadcast_in_dim3A_233, %broadcast_in_dim3A_234 : vector<16xi1>, vector<16xi32>
    %add3A_236 = arith.constant 336 : i32
    %add3A_237 = vector.broadcast %add3A_236 : i32 to vector<16xi32>
    %add3A_238 = arith.addi %iota3A, %add3A_237 : vector<16xi32>
    %ge3A_239 = arith.constant 200 : i32
    %ge3A_240 = vector.broadcast %ge3A_239 : i32 to vector<16xi32>
    %ge3A_241 = arith.cmpi sge, %add3A_238, %ge3A_240 : vector<16xi32>
    %jit3A_242 = arith.constant 1 : i32
    %jit3A_243 = arith.constant 0 : i32
    %broadcast_in_dim3A_244 = vector.broadcast %jit3A_242 : i32 to vector<16xi32>
    %broadcast_in_dim3A_245 = vector.broadcast %jit3A_243 : i32 to vector<16xi32>
    %select_n3A_246 = arith.select %ge3A_241, %broadcast_in_dim3A_244, %broadcast_in_dim3A_245 : vector<16xi1>, vector<16xi32>
    %add3A_247 = arith.constant 352 : i32
    %add3A_248 = vector.broadcast %add3A_247 : i32 to vector<16xi32>
    %add3A_249 = arith.addi %iota3A, %add3A_248 : vector<16xi32>
    %ge3A_250 = arith.constant 200 : i32
    %ge3A_251 = vector.broadcast %ge3A_250 : i32 to vector<16xi32>
    %ge3A_252 = arith.cmpi sge, %add3A_249, %ge3A_251 : vector<16xi32>
    %jit3A_253 = arith.constant 1 : i32
    %jit3A_254 = arith.constant 0 : i32
    %broadcast_in_dim3A_255 = vector.broadcast %jit3A_253 : i32 to vector<16xi32>
    %broadcast_in_dim3A_256 = vector.broadcast %jit3A_254 : i32 to vector<16xi32>
    %select_n3A_257 = arith.select %ge3A_252, %broadcast_in_dim3A_255, %broadcast_in_dim3A_256 : vector<16xi1>, vector<16xi32>
    %add3A_258 = arith.constant 368 : i32
    %add3A_259 = vector.broadcast %add3A_258 : i32 to vector<16xi32>
    %add3A_260 = arith.addi %iota3A, %add3A_259 : vector<16xi32>
    %ge3A_261 = arith.constant 200 : i32
    %ge3A_262 = vector.broadcast %ge3A_261 : i32 to vector<16xi32>
    %ge3A_263 = arith.cmpi sge, %add3A_260, %ge3A_262 : vector<16xi32>
    %jit3A_264 = arith.constant 1 : i32
    %jit3A_265 = arith.constant 0 : i32
    %broadcast_in_dim3A_266 = vector.broadcast %jit3A_264 : i32 to vector<16xi32>
    %broadcast_in_dim3A_267 = vector.broadcast %jit3A_265 : i32 to vector<16xi32>
    %select_n3A_268 = arith.select %ge3A_263, %broadcast_in_dim3A_266, %broadcast_in_dim3A_267 : vector<16xi1>, vector<16xi32>
    %add3A_269 = arith.constant 384 : i32
    %add3A_270 = vector.broadcast %add3A_269 : i32 to vector<16xi32>
    %add3A_271 = arith.addi %iota3A, %add3A_270 : vector<16xi32>
    %ge3A_272 = arith.constant 200 : i32
    %ge3A_273 = vector.broadcast %ge3A_272 : i32 to vector<16xi32>
    %ge3A_274 = arith.cmpi sge, %add3A_271, %ge3A_273 : vector<16xi32>
    %jit3A_275 = arith.constant 1 : i32
    %jit3A_276 = arith.constant 0 : i32
    %broadcast_in_dim3A_277 = vector.broadcast %jit3A_275 : i32 to vector<16xi32>
    %broadcast_in_dim3A_278 = vector.broadcast %jit3A_276 : i32 to vector<16xi32>
    %select_n3A_279 = arith.select %ge3A_274, %broadcast_in_dim3A_277, %broadcast_in_dim3A_278 : vector<16xi1>, vector<16xi32>
    %scan3A = arith.constant 0 : i32
    %scan3A_280 = arith.constant 64 : i32
    %scan3A_281 = arith.addi %scan3A, %scan3A_280 : i32
    %scan3A_282 = arith.constant 1 : i32
    scf.for %scan3A_410 = %scan3A to %scan3A_281 step %scan3A_282  : i32 {
      %mul3A_411 = arith.constant 1 : i32
      %mul3A_412 = arith.muli %scan3A_410, %mul3A_411 : i32
      %add3A_413 = arith.constant 0 : i32
      %add3A_414 = arith.addi %add3A_413, %mul3A_412 : i32
      %mul3A_415 = arith.constant 400 : i32
      %mul3A_416 = arith.muli %add3A_414, %mul3A_415 : i32
      %multiple_of3A_417 = tpu.assume_multiple %mul3A_416, 16 : i32
      %mul3A_418 = arith.constant 2 : i32
      %mul3A_419 = arith.muli %add3A_414, %mul3A_418 : i32
      %add3A_420 = arith.addi %multiple_of3A, %mul3A_419 : i32
      %add3A_421 = vector.broadcast %add3A_420 : i32 to vector<16xi32>
      %add3A_422 = arith.addi %select_n3A, %add3A_421 : vector<16xi32>
      %add3A_423 = arith.constant 0 : i32
      %add3A_424 = arith.addi %multiple_of3A_417, %add3A_423 : i32
      %swap3A = arith.index_cast %add3A_424 : i32 to index
      %swap3A_425 = tpu.vector_load %arg12[%swap3A] {strides = array<i32>} : memref<25600xi32, #tpu.memory_space<vmem>>, vector<16xi32>,
      %swap3A_426 = vector.shape_cast %swap3A_425 : vector<16xi32> to vector<16xi32>
      %swap3A_427 = vector.shape_cast %add3A_422 : vector<16xi32> to vector<16xi32>
      tpu.vector_store %arg12[%swap3A], %swap3A_427 {strides = array<i32>} : memref<25600xi32, #tpu.memory_space<vmem>>, vector<16xi32>,
      %add3A_428 = vector.broadcast %add3A_420 : i32 to vector<16xi32>
      %add3A_429 = arith.addi %select_n3A_26, %add3A_428 : vector<16xi32>
      %add3A_430 = arith.constant 16 : i32
      %add3A_431 = arith.addi %multiple_of3A_417, %add3A_430 : i32
      %swap3A_432 = arith.index_cast %add3A_431 : i32 to index
      %swap3A_433 = tpu.vector_load %arg12[%swap3A_432] {strides = array<i32>} : memref<25600xi32, #tpu.memory_space<vmem>>, vector<16xi32>,
      %swap3A_434 = vector.shape_cast %swap3A_433 : vector<16xi32> to vector<16xi32>
      %swap3A_435 = vector.shape_cast %add3A_429 : vector<16xi32> to vector<16xi32>
      tpu.vector_store %arg12[%swap3A_432], %swap3A_435 {strides = array<i32>} : memref<25600xi32, #tpu.memory_space<vmem>>, vector<16xi32>,
      %add3A_436 = vector.broadcast %add3A_420 : i32 to vector<16xi32>
      %add3A_437 = arith.addi %select_n3A_37, %add3A_436 : vector<16xi32>
      %add3A_438 = arith.constant 32 : i32
      %add3A_439 = arith.addi %multiple_of3A_417, %add3A_438 : i32
      %swap3A_440 = arith.index_cast %add3A_439 : i32 to index
      %swap3A_441 = tpu.vector_load %arg12[%swap3A_440] {strides = array<i32>} : memref<25600xi32, #tpu.memory_space<vmem>>, vector<16xi32>,
      %swap3A_442 = vector.shape_cast %swap3A_441 : vector<16xi32> to vector<16xi32>
      %swap3A_443 = vector.shape_cast %add3A_437 : vector<16xi32> to vector<16xi32>
      tpu.vector_store %arg12[%swap3A_440], %swap3A_443 {strides = array<i32>} : memref<25600xi32, #tpu.memory_space<vmem>>, vector<16xi32>,
      %add3A_444 = vector.broadcast %add3A_420 : i32 to vector<16xi32>
      %add3A_445 = arith.addi %select_n3A_48, %add3A_444 : vector<16xi32>
      %add3A_446 = arith.constant 48 : i32
      %add3A_447 = arith.addi %multiple_of3A_417, %add3A_446 : i32
      %swap3A_448 = arith.index_cast %add3A_447 : i32 to index
      %swap3A_449 = tpu.vector_load %arg12[%swap3A_448] {strides = array<i32>} : memref<25600xi32, #tpu.memory_space<vmem>>, vector<16xi32>,
      %swap3A_450 = vector.shape_cast %swap3A_449 : vector<16xi32> to vector<16xi32>
      %swap3A_451 = vector.shape_cast %add3A_445 : vector<16xi32> to vector<16xi32>
      tpu.vector_store %arg12[%swap3A_448], %swap3A_451 {strides = array<i32>} : memref<25600xi32, #tpu.memory_space<vmem>>, vector<16xi32>,
      %add3A_452 = vector.broadcast %add3A_420 : i32 to vector<16xi32>
      %add3A_453 = arith.addi %select_n3A_59, %add3A_452 : vector<16xi32>
      %add3A_454 = arith.constant 64 : i32
      %add3A_455 = arith.addi %multiple_of3A_417, %add3A_454 : i32
      %swap3A_456 = arith.index_cast %add3A_455 : i32 to index
      %swap3A_457 = tpu.vector_load %arg12[%swap3A_456] {strides = array<i32>} : memref<25600xi32, #tpu.memory_space<vmem>>, vector<16xi32>,
      %swap3A_458 = vector.shape_cast %swap3A_457 : vector<16xi32> to vector<16xi32>
      %swap3A_459 = vector.shape_cast %add3A_453 : vector<16xi32> to vector<16xi32>
      tpu.vector_store %arg12[%swap3A_456], %swap3A_459 {strides = array<i32>} : memref<25600xi32, #tpu.memory_space<vmem>>, vector<16xi32>,
      %add3A_460 = vector.broadcast %add3A_420 : i32 to vector<16xi32>
      %add3A_461 = arith.addi %select_n3A_70, %add3A_460 : vector<16xi32>
      %add3A_462 = arith.constant 80 : i32
      %add3A_463 = arith.addi %multiple_of3A_417, %add3A_462 : i32
      %swap3A_464 = arith.index_cast %add3A_463 : i32 to index
      %swap3A_465 = tpu.vector_load %arg12[%swap3A_464] {strides = array<i32>} : memref<25600xi32, #tpu.memory_space<vmem>>, vector<16xi32>,
      %swap3A_466 = vector.shape_cast %swap3A_465 : vector<16xi32> to vector<16xi32>
      %swap3A_467 = vector.shape_cast %add3A_461 : vector<16xi32> to vector<16xi32>
      tpu.vector_store %arg12[%swap3A_464], %swap3A_467 {strides = array<i32>} : memref<25600xi32, #tpu.memory_space<vmem>>, vector<16xi32>,
      %add3A_468 = vector.broadcast %add3A_420 : i32 to vector<16xi32>
      %add3A_469 = arith.addi %select_n3A_81, %add3A_468 : vector<16xi32>
      %add3A_470 = arith.constant 96 : i32
      %add3A_471 = arith.addi %multiple_of3A_417, %add3A_470 : i32
      %swap3A_472 = arith.index_cast %add3A_471 : i32 to index
      %swap3A_473 = tpu.vector_load %arg12[%swap3A_472] {strides = array<i32>} : memref<25600xi32, #tpu.memory_space<vmem>>, vector<16xi32>,
      %swap3A_474 = vector.shape_cast %swap3A_473 : vector<16xi32> to vector<16xi32>
      %swap3A_475 = vector.shape_cast %add3A_469 : vector<16xi32> to vector<16xi32>
      tpu.vector_store %arg12[%swap3A_472], %swap3A_475 {strides = array<i32>} : memref<25600xi32, #tpu.memory_space<vmem>>, vector<16xi32>,
      %add3A_476 = vector.broadcast %add3A_420 : i32 to vector<16xi32>
      %add3A_477 = arith.addi %select_n3A_92, %add3A_476 : vector<16xi32>
      %add3A_478 = arith.constant 112 : i32
      %add3A_479 = arith.addi %multiple_of3A_417, %add3A_478 : i32
      %swap3A_480 = arith.index_cast %add3A_479 : i32 to index
      %swap3A_481 = tpu.vector_load %arg12[%swap3A_480] {strides = array<i32>} : memref<25600xi32, #tpu.memory_space<vmem>>, vector<16xi32>,
      %swap3A_482 = vector.shape_cast %swap3A_481 : vector<16xi32> to vector<16xi32>
      %swap3A_483 = vector.shape_cast %add3A_477 : vector<16xi32> to vector<16xi32>
      tpu.vector_store %arg12[%swap3A_480], %swap3A_483 {strides = array<i32>} : memref<25600xi32, #tpu.memory_space<vmem>>, vector<16xi32>,
      %add3A_484 = vector.broadcast %add3A_420 : i32 to vector<16xi32>
      %add3A_485 = arith.addi %select_n3A_103, %add3A_484 : vector<16xi32>
      %add3A_486 = arith.constant 128 : i32
      %add3A_487 = arith.addi %multiple_of3A_417, %add3A_486 : i32
      %swap3A_488 = arith.index_cast %add3A_487 : i32 to index
      %swap3A_489 = tpu.vector_load %arg12[%swap3A_488] {strides = array<i32>} : memref<25600xi32, #tpu.memory_space<vmem>>, vector<16xi32>,
      %swap3A_490 = vector.shape_cast %swap3A_489 : vector<16xi32> to vector<16xi32>
      %swap3A_491 = vector.shape_cast %add3A_485 : vector<16xi32> to vector<16xi32>
      tpu.vector_store %arg12[%swap3A_488], %swap3A_491 {strides = array<i32>} : memref<25600xi32, #tpu.memory_space<vmem>>, vector<16xi32>,
      %add3A_492 = vector.broadcast %add3A_420 : i32 to vector<16xi32>
      %add3A_493 = arith.addi %select_n3A_114, %add3A_492 : vector<16xi32>
      %add3A_494 = arith.constant 144 : i32
      %add3A_495 = arith.addi %multiple_of3A_417, %add3A_494 : i32
      %swap3A_496 = arith.index_cast %add3A_495 : i32 to index
      %swap3A_497 = tpu.vector_load %arg12[%swap3A_496] {strides = array<i32>} : memref<25600xi32, #tpu.memory_space<vmem>>, vector<16xi32>,
      %swap3A_498 = vector.shape_cast %swap3A_497 : vector<16xi32> to vector<16xi32>
      %swap3A_499 = vector.shape_cast %add3A_493 : vector<16xi32> to vector<16xi32>
      tpu.vector_store %arg12[%swap3A_496], %swap3A_499 {strides = array<i32>} : memref<25600xi32, #tpu.memory_space<vmem>>, vector<16xi32>,
      %add3A_500 = vector.broadcast %add3A_420 : i32 to vector<16xi32>
      %add3A_501 = arith.addi %select_n3A_125, %add3A_500 : vector<16xi32>
      %add3A_502 = arith.constant 160 : i32
      %add3A_503 = arith.addi %multiple_of3A_417, %add3A_502 : i32
      %swap3A_504 = arith.index_cast %add3A_503 : i32 to index
      %swap3A_505 = tpu.vector_load %arg12[%swap3A_504] {strides = array<i32>} : memref<25600xi32, #tpu.memory_space<vmem>>, vector<16xi32>,
      %swap3A_506 = vector.shape_cast %swap3A_505 : vector<16xi32> to vector<16xi32>
      %swap3A_507 = vector.shape_cast %add3A_501 : vector<16xi32> to vector<16xi32>
      tpu.vector_store %arg12[%swap3A_504], %swap3A_507 {strides = array<i32>} : memref<25600xi32, #tpu.memory_space<vmem>>, vector<16xi32>,
      %add3A_508 = vector.broadcast %add3A_420 : i32 to vector<16xi32>
      %add3A_509 = arith.addi %select_n3A_136, %add3A_508 : vector<16xi32>
      %add3A_510 = arith.constant 176 : i32
      %add3A_511 = arith.addi %multiple_of3A_417, %add3A_510 : i32
      %swap3A_512 = arith.index_cast %add3A_511 : i32 to index
      %swap3A_513 = tpu.vector_load %arg12[%swap3A_512] {strides = array<i32>} : memref<25600xi32, #tpu.memory_space<vmem>>, vector<16xi32>,
      %swap3A_514 = vector.shape_cast %swap3A_513 : vector<16xi32> to vector<16xi32>
      %swap3A_515 = vector.shape_cast %add3A_509 : vector<16xi32> to vector<16xi32>
      tpu.vector_store %arg12[%swap3A_512], %swap3A_515 {strides = array<i32>} : memref<25600xi32, #tpu.memory_space<vmem>>, vector<16xi32>,
      %add3A_516 = vector.broadcast %add3A_420 : i32 to vector<16xi32>
      %add3A_517 = arith.addi %select_n3A_147, %add3A_516 : vector<16xi32>
      %add3A_518 = arith.constant 192 : i32
      %add3A_519 = arith.addi %multiple_of3A_417, %add3A_518 : i32
      %swap3A_520 = arith.index_cast %add3A_519 : i32 to index
      %swap3A_521 = tpu.vector_load %arg12[%swap3A_520] {strides = array<i32>} : memref<25600xi32, #tpu.memory_space<vmem>>, vector<16xi32>,
      %swap3A_522 = vector.shape_cast %swap3A_521 : vector<16xi32> to vector<16xi32>
      %swap3A_523 = vector.shape_cast %add3A_517 : vector<16xi32> to vector<16xi32>
      tpu.vector_store %arg12[%swap3A_520], %swap3A_523 {strides = array<i32>} : memref<25600xi32, #tpu.memory_space<vmem>>, vector<16xi32>,
      %add3A_524 = vector.broadcast %add3A_420 : i32 to vector<16xi32>
      %add3A_525 = arith.addi %select_n3A_158, %add3A_524 : vector<16xi32>
      %add3A_526 = arith.constant 208 : i32
      %add3A_527 = arith.addi %multiple_of3A_417, %add3A_526 : i32
      %swap3A_528 = arith.index_cast %add3A_527 : i32 to index
      %swap3A_529 = tpu.vector_load %arg12[%swap3A_528] {strides = array<i32>} : memref<25600xi32, #tpu.memory_space<vmem>>, vector<16xi32>,
      %swap3A_530 = vector.shape_cast %swap3A_529 : vector<16xi32> to vector<16xi32>
      %swap3A_531 = vector.shape_cast %add3A_525 : vector<16xi32> to vector<16xi32>
      tpu.vector_store %arg12[%swap3A_528], %swap3A_531 {strides = array<i32>} : memref<25600xi32, #tpu.memory_space<vmem>>, vector<16xi32>,
      %add3A_532 = vector.broadcast %add3A_420 : i32 to vector<16xi32>
      %add3A_533 = arith.addi %select_n3A_169, %add3A_532 : vector<16xi32>
      %add3A_534 = arith.constant 224 : i32
      %add3A_535 = arith.addi %multiple_of3A_417, %add3A_534 : i32
      %swap3A_536 = arith.index_cast %add3A_535 : i32 to index
      %swap3A_537 = tpu.vector_load %arg12[%swap3A_536] {strides = array<i32>} : memref<25600xi32, #tpu.memory_space<vmem>>, vector<16xi32>,
      %swap3A_538 = vector.shape_cast %swap3A_537 : vector<16xi32> to vector<16xi32>
      %swap3A_539 = vector.shape_cast %add3A_533 : vector<16xi32> to vector<16xi32>
      tpu.vector_store %arg12[%swap3A_536], %swap3A_539 {strides = array<i32>} : memref<25600xi32, #tpu.memory_space<vmem>>, vector<16xi32>,
      %add3A_540 = vector.broadcast %add3A_420 : i32 to vector<16xi32>
      %add3A_541 = arith.addi %select_n3A_180, %add3A_540 : vector<16xi32>
      %add3A_542 = arith.constant 240 : i32
      %add3A_543 = arith.addi %multiple_of3A_417, %add3A_542 : i32
      %swap3A_544 = arith.index_cast %add3A_543 : i32 to index
      %swap3A_545 = tpu.vector_load %arg12[%swap3A_544] {strides = array<i32>} : memref<25600xi32, #tpu.memory_space<vmem>>, vector<16xi32>,
      %swap3A_546 = vector.shape_cast %swap3A_545 : vector<16xi32> to vector<16xi32>
      %swap3A_547 = vector.shape_cast %add3A_541 : vector<16xi32> to vector<16xi32>
      tpu.vector_store %arg12[%swap3A_544], %swap3A_547 {strides = array<i32>} : memref<25600xi32, #tpu.memory_space<vmem>>, vector<16xi32>,
      %add3A_548 = vector.broadcast %add3A_420 : i32 to vector<16xi32>
      %add3A_549 = arith.addi %select_n3A_191, %add3A_548 : vector<16xi32>
      %add3A_550 = arith.constant 256 : i32
      %add3A_551 = arith.addi %multiple_of3A_417, %add3A_550 : i32
      %swap3A_552 = arith.index_cast %add3A_551 : i32 to index
      %swap3A_553 = tpu.vector_load %arg12[%swap3A_552] {strides = array<i32>} : memref<25600xi32, #tpu.memory_space<vmem>>, vector<16xi32>,
      %swap3A_554 = vector.shape_cast %swap3A_553 : vector<16xi32> to vector<16xi32>
      %swap3A_555 = vector.shape_cast %add3A_549 : vector<16xi32> to vector<16xi32>
      tpu.vector_store %arg12[%swap3A_552], %swap3A_555 {strides = array<i32>} : memref<25600xi32, #tpu.memory_space<vmem>>, vector<16xi32>,
      %add3A_556 = vector.broadcast %add3A_420 : i32 to vector<16xi32>
      %add3A_557 = arith.addi %select_n3A_202, %add3A_556 : vector<16xi32>
      %add3A_558 = arith.constant 272 : i32
      %add3A_559 = arith.addi %multiple_of3A_417, %add3A_558 : i32
      %swap3A_560 = arith.index_cast %add3A_559 : i32 to index
      %swap3A_561 = tpu.vector_load %arg12[%swap3A_560] {strides = array<i32>} : memref<25600xi32, #tpu.memory_space<vmem>>, vector<16xi32>,
      %swap3A_562 = vector.shape_cast %swap3A_561 : vector<16xi32> to vector<16xi32>
      %swap3A_563 = vector.shape_cast %add3A_557 : vector<16xi32> to vector<16xi32>
      tpu.vector_store %arg12[%swap3A_560], %swap3A_563 {strides = array<i32>} : memref<25600xi32, #tpu.memory_space<vmem>>, vector<16xi32>,
      %add3A_564 = vector.broadcast %add3A_420 : i32 to vector<16xi32>
      %add3A_565 = arith.addi %select_n3A_213, %add3A_564 : vector<16xi32>
      %add3A_566 = arith.constant 288 : i32
      %add3A_567 = arith.addi %multiple_of3A_417, %add3A_566 : i32
      %swap3A_568 = arith.index_cast %add3A_567 : i32 to index
      %swap3A_569 = tpu.vector_load %arg12[%swap3A_568] {strides = array<i32>} : memref<25600xi32, #tpu.memory_space<vmem>>, vector<16xi32>,
      %swap3A_570 = vector.shape_cast %swap3A_569 : vector<16xi32> to vector<16xi32>
      %swap3A_571 = vector.shape_cast %add3A_565 : vector<16xi32> to vector<16xi32>
      tpu.vector_store %arg12[%swap3A_568], %swap3A_571 {strides = array<i32>} : memref<25600xi32, #tpu.memory_space<vmem>>, vector<16xi32>,
      %add3A_572 = vector.broadcast %add3A_420 : i32 to vector<16xi32>
      %add3A_573 = arith.addi %select_n3A_224, %add3A_572 : vector<16xi32>
      %add3A_574 = arith.constant 304 : i32
      %add3A_575 = arith.addi %multiple_of3A_417, %add3A_574 : i32
      %swap3A_576 = arith.index_cast %add3A_575 : i32 to index
      %swap3A_577 = tpu.vector_load %arg12[%swap3A_576] {strides = array<i32>} : memref<25600xi32, #tpu.memory_space<vmem>>, vector<16xi32>,
      %swap3A_578 = vector.shape_cast %swap3A_577 : vector<16xi32> to vector<16xi32>
      %swap3A_579 = vector.shape_cast %add3A_573 : vector<16xi32> to vector<16xi32>
      tpu.vector_store %arg12[%swap3A_576], %swap3A_579 {strides = array<i32>} : memref<25600xi32, #tpu.memory_space<vmem>>, vector<16xi32>,
      %add3A_580 = vector.broadcast %add3A_420 : i32 to vector<16xi32>
      %add3A_581 = arith.addi %select_n3A_235, %add3A_580 : vector<16xi32>
      %add3A_582 = arith.constant 320 : i32
      %add3A_583 = arith.addi %multiple_of3A_417, %add3A_582 : i32
      %swap3A_584 = arith.index_cast %add3A_583 : i32 to index
      %swap3A_585 = tpu.vector_load %arg12[%swap3A_584] {strides = array<i32>} : memref<25600xi32, #tpu.memory_space<vmem>>, vector<16xi32>,
      %swap3A_586 = vector.shape_cast %swap3A_585 : vector<16xi32> to vector<16xi32>
      %swap3A_587 = vector.shape_cast %add3A_581 : vector<16xi32> to vector<16xi32>
      tpu.vector_store %arg12[%swap3A_584], %swap3A_587 {strides = array<i32>} : memref<25600xi32, #tpu.memory_space<vmem>>, vector<16xi32>,
      %add3A_588 = vector.broadcast %add3A_420 : i32 to vector<16xi32>
      %add3A_589 = arith.addi %select_n3A_246, %add3A_588 : vector<16xi32>
      %add3A_590 = arith.constant 336 : i32
      %add3A_591 = arith.addi %multiple_of3A_417, %add3A_590 : i32
      %swap3A_592 = arith.index_cast %add3A_591 : i32 to index
      %swap3A_593 = tpu.vector_load %arg12[%swap3A_592] {strides = array<i32>} : memref<25600xi32, #tpu.memory_space<vmem>>, vector<16xi32>,
      %swap3A_594 = vector.shape_cast %swap3A_593 : vector<16xi32> to vector<16xi32>
      %swap3A_595 = vector.shape_cast %add3A_589 : vector<16xi32> to vector<16xi32>
      tpu.vector_store %arg12[%swap3A_592], %swap3A_595 {strides = array<i32>} : memref<25600xi32, #tpu.memory_space<vmem>>, vector<16xi32>,
      %add3A_596 = vector.broadcast %add3A_420 : i32 to vector<16xi32>
      %add3A_597 = arith.addi %select_n3A_257, %add3A_596 : vector<16xi32>
      %add3A_598 = arith.constant 352 : i32
      %add3A_599 = arith.addi %multiple_of3A_417, %add3A_598 : i32
      %swap3A_600 = arith.index_cast %add3A_599 : i32 to index
      %swap3A_601 = tpu.vector_load %arg12[%swap3A_600] {strides = array<i32>} : memref<25600xi32, #tpu.memory_space<vmem>>, vector<16xi32>,
      %swap3A_602 = vector.shape_cast %swap3A_601 : vector<16xi32> to vector<16xi32>
      %swap3A_603 = vector.shape_cast %add3A_597 : vector<16xi32> to vector<16xi32>
      tpu.vector_store %arg12[%swap3A_600], %swap3A_603 {strides = array<i32>} : memref<25600xi32, #tpu.memory_space<vmem>>, vector<16xi32>,
      %add3A_604 = vector.broadcast %add3A_420 : i32 to vector<16xi32>
      %add3A_605 = arith.addi %select_n3A_268, %add3A_604 : vector<16xi32>
      %add3A_606 = arith.constant 368 : i32
      %add3A_607 = arith.addi %multiple_of3A_417, %add3A_606 : i32
      %swap3A_608 = arith.index_cast %add3A_607 : i32 to index
      %swap3A_609 = tpu.vector_load %arg12[%swap3A_608] {strides = array<i32>} : memref<25600xi32, #tpu.memory_space<vmem>>, vector<16xi32>,
      %swap3A_610 = vector.shape_cast %swap3A_609 : vector<16xi32> to vector<16xi32>
      %swap3A_611 = vector.shape_cast %add3A_605 : vector<16xi32> to vector<16xi32>
      tpu.vector_store %arg12[%swap3A_608], %swap3A_611 {strides = array<i32>} : memref<25600xi32, #tpu.memory_space<vmem>>, vector<16xi32>,
      %add3A_612 = vector.broadcast %add3A_420 : i32 to vector<16xi32>
      %add3A_613 = arith.addi %select_n3A_279, %add3A_612 : vector<16xi32>
      %add3A_614 = arith.constant 384 : i32
      %add3A_615 = arith.addi %multiple_of3A_417, %add3A_614 : i32
      %swap3A_616 = arith.index_cast %add3A_615 : i32 to index
      %swap3A_617 = tpu.vector_load %arg12[%swap3A_616] {strides = array<i32>} : memref<25600xi32, #tpu.memory_space<vmem>>, vector<16xi32>,
      %swap3A_618 = vector.shape_cast %swap3A_617 : vector<16xi32> to vector<16xi32>
      %swap3A_619 = vector.shape_cast %add3A_613 : vector<16xi32> to vector<16xi32>
      tpu.vector_store %arg12[%swap3A_616], %swap3A_619 {strides = array<i32>} : memref<25600xi32, #tpu.memory_space<vmem>>, vector<16xi32>,
    }
    %scan3A_283 = arith.constant 64 : i32
    %scan3A_284 = arith.constant 0 : i32
    %scan3A_285 = arith.constant 32 : i32
    %scan3A_286 = arith.addi %scan3A_284, %scan3A_285 : i32
    %scan3A_287 = arith.constant 1 : i32
    scf.for %scan3A_410 = %scan3A_284 to %scan3A_286 step %scan3A_287  : i32 {
      %mul3A_411 = arith.constant 1 : i32
      %mul3A_412 = arith.muli %scan3A_410, %mul3A_411 : i32
      %add3A_413 = arith.constant 0 : i32
      %add3A_414 = arith.addi %add3A_413, %mul3A_412 : i32
      %convert_element_type3A = arith.sitofp %iota3A : vector<16xi32> to vector<16xf32>
      %mul3A_415 = arith.constant 0.000000e+00 : f32
      %mul3A_416 = vector.broadcast %mul3A_415 : f32 to vector<16xf32>
      %mul3A_417 = arith.mulf %mul3A_416, %convert_element_type3A : vector<16xf32>
      %swap3A = arith.index_cast %add3A_414 : i32 to index
      %swap3A_418 = arith.constant 0 : index
      %swap3A_419 = tpu.vector_load %arg15[%swap3A, %swap3A_418] {strides = array<i32>} : memref<32x64xf32, #tpu.memory_space<vmem>>, vector<1x16xf32>,
      %swap3A_420 = vector.shape_cast %swap3A_419 : vector<1x16xf32> to vector<16xf32>
      %swap3A_421 = vector.shape_cast %mul3A_417 : vector<16xf32> to vector<1x16xf32>
      tpu.vector_store %arg15[%swap3A, %swap3A_418], %swap3A_421 {strides = array<i32>} : memref<32x64xf32, #tpu.memory_space<vmem>>, vector<1x16xf32>,
      %convert_element_type3A_422 = arith.sitofp %iota3A : vector<16xi32> to vector<16xf32>
      %mul3A_423 = arith.constant 0.000000e+00 : f32
      %mul3A_424 = vector.broadcast %mul3A_423 : f32 to vector<16xf32>
      %mul3A_425 = arith.mulf %mul3A_424, %convert_element_type3A_422 : vector<16xf32>
      %swap3A_426 = arith.index_cast %add3A_414 : i32 to index
      %swap3A_427 = arith.constant 16 : index
      %swap3A_428 = tpu.vector_load %arg15[%swap3A_426, %swap3A_427] {strides = array<i32>} : memref<32x64xf32, #tpu.memory_space<vmem>>, vector<1x16xf32>,
      %swap3A_429 = vector.shape_cast %swap3A_428 : vector<1x16xf32> to vector<16xf32>
      %swap3A_430 = vector.shape_cast %mul3A_425 : vector<16xf32> to vector<1x16xf32>
      tpu.vector_store %arg15[%swap3A_426, %swap3A_427], %swap3A_430 {strides = array<i32>} : memref<32x64xf32, #tpu.memory_space<vmem>>, vector<1x16xf32>,
      %convert_element_type3A_431 = arith.sitofp %iota3A : vector<16xi32> to vector<16xf32>
      %mul3A_432 = arith.constant 0.000000e+00 : f32
      %mul3A_433 = vector.broadcast %mul3A_432 : f32 to vector<16xf32>
      %mul3A_434 = arith.mulf %mul3A_433, %convert_element_type3A_431 : vector<16xf32>
      %swap3A_435 = arith.index_cast %add3A_414 : i32 to index
      %swap3A_436 = arith.constant 32 : index
      %swap3A_437 = tpu.vector_load %arg15[%swap3A_435, %swap3A_436] {strides = array<i32>} : memref<32x64xf32, #tpu.memory_space<vmem>>, vector<1x16xf32>,
      %swap3A_438 = vector.shape_cast %swap3A_437 : vector<1x16xf32> to vector<16xf32>
      %swap3A_439 = vector.shape_cast %mul3A_434 : vector<16xf32> to vector<1x16xf32>
      tpu.vector_store %arg15[%swap3A_435, %swap3A_436], %swap3A_439 {strides = array<i32>} : memref<32x64xf32, #tpu.memory_space<vmem>>, vector<1x16xf32>,
      %convert_element_type3A_440 = arith.sitofp %iota3A : vector<16xi32> to vector<16xf32>
      %mul3A_441 = arith.constant 0.000000e+00 : f32
      %mul3A_442 = vector.broadcast %mul3A_441 : f32 to vector<16xf32>
      %mul3A_443 = arith.mulf %mul3A_442, %convert_element_type3A_440 : vector<16xf32>
      %swap3A_444 = arith.index_cast %add3A_414 : i32 to index
      %swap3A_445 = arith.constant 48 : index
      %swap3A_446 = tpu.vector_load %arg15[%swap3A_444, %swap3A_445] {strides = array<i32>} : memref<32x64xf32, #tpu.memory_space<vmem>>, vector<1x16xf32>,
      %swap3A_447 = vector.shape_cast %swap3A_446 : vector<1x16xf32> to vector<16xf32>
      %swap3A_448 = vector.shape_cast %mul3A_443 : vector<16xf32> to vector<1x16xf32>
      tpu.vector_store %arg15[%swap3A_444, %swap3A_445], %swap3A_448 {strides = array<i32>} : memref<32x64xf32, #tpu.memory_space<vmem>>, vector<1x16xf32>,
    }
    %scan3A_288 = arith.constant 32 : i32
    %add3A_289 = arith.constant 0 : i32
    %add3A_290 = arith.addi %multiple_of3A, %add3A_289 : i32
    "tpu.region"() ({
      %run_scoped3A = tpu.sem_alloc : memref<!tpu.dma_semaphore, #tpu.memory_space<semaphore_mem>>
      %dma_start3A_410 = arith.constant 0 : i32
      %dma_start3A_411 = tpu.memref_slice %arg18[%add3A_290, %dma_start3A_410] : memref<2048x64xf32, #tpu.memory_space<vmem_shared>> -> memref<32x64xf32, #tpu.memory_space<vmem_shared>>
      %dma_start3A_412 = arith.constant 0 : i32
      %dma_start3A_413 = tpu.memref_slice %arg18[%add3A_290, %dma_start3A_412] : memref<2048x64xf32, #tpu.memory_space<vmem_shared>> -> memref<32x64xf32, #tpu.memory_space<vmem_shared>>
      tpu.enqueue_dma source(%arg15 : memref<32x64xf32, #tpu.memory_space<vmem>>) target(%dma_start3A_413 : memref<32x64xf32, #tpu.memory_space<vmem_shared>>) target_semaphore(%run_scoped3A : memref<!tpu.dma_semaphore, #tpu.memory_space<semaphore_mem>>)
      %dma_wait3A_414 = arith.constant 0 : i32
      %dma_wait3A_415 = tpu.memref_slice %arg18[%add3A_290, %dma_wait3A_414] : memref<2048x64xf32, #tpu.memory_space<vmem_shared>> -> memref<32x64xf32, #tpu.memory_space<vmem_shared>>
      %dma_wait3A_416 = arith.constant 0 : i32
      %dma_wait3A_417 = tpu.memref_slice %arg18[%add3A_290, %dma_wait3A_416] : memref<2048x64xf32, #tpu.memory_space<vmem_shared>> -> memref<32x64xf32, #tpu.memory_space<vmem_shared>>
      tpu.wait_dma2 semaphore(%run_scoped3A : memref<!tpu.dma_semaphore, #tpu.memory_space<semaphore_mem>>) src(%arg15 : memref<32x64xf32, #tpu.memory_space<vmem>>) dst(%dma_wait3A_417 : memref<32x64xf32, #tpu.memory_space<vmem_shared>>)
      tpu.yield
    }) : () -> ()
    %add3A_291 = arith.constant 32 : i32
    %add3A_292 = arith.addi %multiple_of3A, %add3A_291 : i32
    "tpu.region"() ({
      %run_scoped3A = tpu.sem_alloc : memref<!tpu.dma_semaphore, #tpu.memory_space<semaphore_mem>>
      %dma_start3A_410 = arith.constant 0 : i32
      %dma_start3A_411 = tpu.memref_slice %arg18[%add3A_292, %dma_start3A_410] : memref<2048x64xf32, #tpu.memory_space<vmem_shared>> -> memref<32x64xf32, #tpu.memory_space<vmem_shared>>
      %dma_start3A_412 = arith.constant 0 : i32
      %dma_start3A_413 = tpu.memref_slice %arg18[%add3A_292, %dma_start3A_412] : memref<2048x64xf32, #tpu.memory_space<vmem_shared>> -> memref<32x64xf32, #tpu.memory_space<vmem_shared>>
      tpu.enqueue_dma source(%arg15 : memref<32x64xf32, #tpu.memory_space<vmem>>) target(%dma_start3A_413 : memref<32x64xf32, #tpu.memory_space<vmem_shared>>) target_semaphore(%run_scoped3A : memref<!tpu.dma_semaphore, #tpu.memory_space<semaphore_mem>>)
      %dma_wait3A_414 = arith.constant 0 : i32
      %dma_wait3A_415 = tpu.memref_slice %arg18[%add3A_292, %dma_wait3A_414] : memref<2048x64xf32, #tpu.memory_space<vmem_shared>> -> memref<32x64xf32, #tpu.memory_space<vmem_shared>>
      %dma_wait3A_416 = arith.constant 0 : i32
      %dma_wait3A_417 = tpu.memref_slice %arg18[%add3A_292, %dma_wait3A_416] : memref<2048x64xf32, #tpu.memory_space<vmem_shared>> -> memref<32x64xf32, #tpu.memory_space<vmem_shared>>
      tpu.wait_dma2 semaphore(%run_scoped3A : memref<!tpu.dma_semaphore, #tpu.memory_space<semaphore_mem>>) src(%arg15 : memref<32x64xf32, #tpu.memory_space<vmem>>) dst(%dma_wait3A_417 : memref<32x64xf32, #tpu.memory_space<vmem_shared>>)
      tpu.yield
    }) : () -> ()
    %add3A_293 = arith.constant 64 : i32
    %add3A_294 = arith.addi %multiple_of3A, %add3A_293 : i32
    "tpu.region"() ({
      %run_scoped3A = tpu.sem_alloc : memref<!tpu.dma_semaphore, #tpu.memory_space<semaphore_mem>>
      %dma_start3A_410 = arith.constant 0 : i32
      %dma_start3A_411 = tpu.memref_slice %arg18[%add3A_294, %dma_start3A_410] : memref<2048x64xf32, #tpu.memory_space<vmem_shared>> -> memref<32x64xf32, #tpu.memory_space<vmem_shared>>
      %dma_start3A_412 = arith.constant 0 : i32
      %dma_start3A_413 = tpu.memref_slice %arg18[%add3A_294, %dma_start3A_412] : memref<2048x64xf32, #tpu.memory_space<vmem_shared>> -> memref<32x64xf32, #tpu.memory_space<vmem_shared>>
      tpu.enqueue_dma source(%arg15 : memref<32x64xf32, #tpu.memory_space<vmem>>) target(%dma_start3A_413 : memref<32x64xf32, #tpu.memory_space<vmem_shared>>) target_semaphore(%run_scoped3A : memref<!tpu.dma_semaphore, #tpu.memory_space<semaphore_mem>>)
      %dma_wait3A_414 = arith.constant 0 : i32
      %dma_wait3A_415 = tpu.memref_slice %arg18[%add3A_294, %dma_wait3A_414] : memref<2048x64xf32, #tpu.memory_space<vmem_shared>> -> memref<32x64xf32, #tpu.memory_space<vmem_shared>>
      %dma_wait3A_416 = arith.constant 0 : i32
      %dma_wait3A_417 = tpu.memref_slice %arg18[%add3A_294, %dma_wait3A_416] : memref<2048x64xf32, #tpu.memory_space<vmem_shared>> -> memref<32x64xf32, #tpu.memory_space<vmem_shared>>
      tpu.wait_dma2 semaphore(%run_scoped3A : memref<!tpu.dma_semaphore, #tpu.memory_space<semaphore_mem>>) src(%arg15 : memref<32x64xf32, #tpu.memory_space<vmem>>) dst(%dma_wait3A_417 : memref<32x64xf32, #tpu.memory_space<vmem_shared>>)
      tpu.yield
    }) : () -> ()
    %add3A_295 = arith.constant 96 : i32
    %add3A_296 = arith.addi %multiple_of3A, %add3A_295 : i32
    "tpu.region"() ({
      %run_scoped3A = tpu.sem_alloc : memref<!tpu.dma_semaphore, #tpu.memory_space<semaphore_mem>>
      %dma_start3A_410 = arith.constant 0 : i32
      %dma_start3A_411 = tpu.memref_slice %arg18[%add3A_296, %dma_start3A_410] : memref<2048x64xf32, #tpu.memory_space<vmem_shared>> -> memref<32x64xf32, #tpu.memory_space<vmem_shared>>
      %dma_start3A_412 = arith.constant 0 : i32
      %dma_start3A_413 = tpu.memref_slice %arg18[%add3A_296, %dma_start3A_412] : memref<2048x64xf32, #tpu.memory_space<vmem_shared>> -> memref<32x64xf32, #tpu.memory_space<vmem_shared>>
      tpu.enqueue_dma source(%arg15 : memref<32x64xf32, #tpu.memory_space<vmem>>) target(%dma_start3A_413 : memref<32x64xf32, #tpu.memory_space<vmem_shared>>) target_semaphore(%run_scoped3A : memref<!tpu.dma_semaphore, #tpu.memory_space<semaphore_mem>>)
      %dma_wait3A_414 = arith.constant 0 : i32
      %dma_wait3A_415 = tpu.memref_slice %arg18[%add3A_296, %dma_wait3A_414] : memref<2048x64xf32, #tpu.memory_space<vmem_shared>> -> memref<32x64xf32, #tpu.memory_space<vmem_shared>>
      %dma_wait3A_416 = arith.constant 0 : i32
      %dma_wait3A_417 = tpu.memref_slice %arg18[%add3A_296, %dma_wait3A_416] : memref<2048x64xf32, #tpu.memory_space<vmem_shared>> -> memref<32x64xf32, #tpu.memory_space<vmem_shared>>
      tpu.wait_dma2 semaphore(%run_scoped3A : memref<!tpu.dma_semaphore, #tpu.memory_space<semaphore_mem>>) src(%arg15 : memref<32x64xf32, #tpu.memory_space<vmem>>) dst(%dma_wait3A_417 : memref<32x64xf32, #tpu.memory_space<vmem_shared>>)
      tpu.yield
    }) : () -> ()
    %add3A_297 = arith.constant 0 : i32
    %add3A_298 = arith.addi %multiple_of3A, %add3A_297 : i32
    "tpu.region"() ({
      %run_scoped3A = tpu.sem_alloc : memref<!tpu.dma_semaphore, #tpu.memory_space<semaphore_mem>>
      %dma_start3A_410 = arith.constant 0 : i32
      %dma_start3A_411 = tpu.memref_slice %arg19[%add3A_298, %dma_start3A_410] : memref<2048x64xf32, #tpu.memory_space<vmem_shared>> -> memref<32x64xf32, #tpu.memory_space<vmem_shared>>
      %dma_start3A_412 = arith.constant 0 : i32
      %dma_start3A_413 = tpu.memref_slice %arg19[%add3A_298, %dma_start3A_412] : memref<2048x64xf32, #tpu.memory_space<vmem_shared>> -> memref<32x64xf32, #tpu.memory_space<vmem_shared>>
      tpu.enqueue_dma source(%arg15 : memref<32x64xf32, #tpu.memory_space<vmem>>) target(%dma_start3A_413 : memref<32x64xf32, #tpu.memory_space<vmem_shared>>) target_semaphore(%run_scoped3A : memref<!tpu.dma_semaphore, #tpu.memory_space<semaphore_mem>>)
      %dma_wait3A_414 = arith.constant 0 : i32
      %dma_wait3A_415 = tpu.memref_slice %arg19[%add3A_298, %dma_wait3A_414] : memref<2048x64xf32, #tpu.memory_space<vmem_shared>> -> memref<32x64xf32, #tpu.memory_space<vmem_shared>>
      %dma_wait3A_416 = arith.constant 0 : i32
      %dma_wait3A_417 = tpu.memref_slice %arg19[%add3A_298, %dma_wait3A_416] : memref<2048x64xf32, #tpu.memory_space<vmem_shared>> -> memref<32x64xf32, #tpu.memory_space<vmem_shared>>
      tpu.wait_dma2 semaphore(%run_scoped3A : memref<!tpu.dma_semaphore, #tpu.memory_space<semaphore_mem>>) src(%arg15 : memref<32x64xf32, #tpu.memory_space<vmem>>) dst(%dma_wait3A_417 : memref<32x64xf32, #tpu.memory_space<vmem_shared>>)
      tpu.yield
    }) : () -> ()
    %add3A_299 = arith.constant 32 : i32
    %add3A_300 = arith.addi %multiple_of3A, %add3A_299 : i32
    "tpu.region"() ({
      %run_scoped3A = tpu.sem_alloc : memref<!tpu.dma_semaphore, #tpu.memory_space<semaphore_mem>>
      %dma_start3A_410 = arith.constant 0 : i32
      %dma_start3A_411 = tpu.memref_slice %arg19[%add3A_300, %dma_start3A_410] : memref<2048x64xf32, #tpu.memory_space<vmem_shared>> -> memref<32x64xf32, #tpu.memory_space<vmem_shared>>
      %dma_start3A_412 = arith.constant 0 : i32
      %dma_start3A_413 = tpu.memref_slice %arg19[%add3A_300, %dma_start3A_412] : memref<2048x64xf32, #tpu.memory_space<vmem_shared>> -> memref<32x64xf32, #tpu.memory_space<vmem_shared>>
      tpu.enqueue_dma source(%arg15 : memref<32x64xf32, #tpu.memory_space<vmem>>) target(%dma_start3A_413 : memref<32x64xf32, #tpu.memory_space<vmem_shared>>) target_semaphore(%run_scoped3A : memref<!tpu.dma_semaphore, #tpu.memory_space<semaphore_mem>>)
      %dma_wait3A_414 = arith.constant 0 : i32
      %dma_wait3A_415 = tpu.memref_slice %arg19[%add3A_300, %dma_wait3A_414] : memref<2048x64xf32, #tpu.memory_space<vmem_shared>> -> memref<32x64xf32, #tpu.memory_space<vmem_shared>>
      %dma_wait3A_416 = arith.constant 0 : i32
      %dma_wait3A_417 = tpu.memref_slice %arg19[%add3A_300, %dma_wait3A_416] : memref<2048x64xf32, #tpu.memory_space<vmem_shared>> -> memref<32x64xf32, #tpu.memory_space<vmem_shared>>
      tpu.wait_dma2 semaphore(%run_scoped3A : memref<!tpu.dma_semaphore, #tpu.memory_space<semaphore_mem>>) src(%arg15 : memref<32x64xf32, #tpu.memory_space<vmem>>) dst(%dma_wait3A_417 : memref<32x64xf32, #tpu.memory_space<vmem_shared>>)
      tpu.yield
    }) : () -> ()
    %add3A_301 = arith.constant 64 : i32
    %add3A_302 = arith.addi %multiple_of3A, %add3A_301 : i32
    "tpu.region"() ({
      %run_scoped3A = tpu.sem_alloc : memref<!tpu.dma_semaphore, #tpu.memory_space<semaphore_mem>>
      %dma_start3A_410 = arith.constant 0 : i32
      %dma_start3A_411 = tpu.memref_slice %arg19[%add3A_302, %dma_start3A_410] : memref<2048x64xf32, #tpu.memory_space<vmem_shared>> -> memref<32x64xf32, #tpu.memory_space<vmem_shared>>
      %dma_start3A_412 = arith.constant 0 : i32
      %dma_start3A_413 = tpu.memref_slice %arg19[%add3A_302, %dma_start3A_412] : memref<2048x64xf32, #tpu.memory_space<vmem_shared>> -> memref<32x64xf32, #tpu.memory_space<vmem_shared>>
      tpu.enqueue_dma source(%arg15 : memref<32x64xf32, #tpu.memory_space<vmem>>) target(%dma_start3A_413 : memref<32x64xf32, #tpu.memory_space<vmem_shared>>) target_semaphore(%run_scoped3A : memref<!tpu.dma_semaphore, #tpu.memory_space<semaphore_mem>>)
      %dma_wait3A_414 = arith.constant 0 : i32
      %dma_wait3A_415 = tpu.memref_slice %arg19[%add3A_302, %dma_wait3A_414] : memref<2048x64xf32, #tpu.memory_space<vmem_shared>> -> memref<32x64xf32, #tpu.memory_space<vmem_shared>>
      %dma_wait3A_416 = arith.constant 0 : i32
      %dma_wait3A_417 = tpu.memref_slice %arg19[%add3A_302, %dma_wait3A_416] : memref<2048x64xf32, #tpu.memory_space<vmem_shared>> -> memref<32x64xf32, #tpu.memory_space<vmem_shared>>
      tpu.wait_dma2 semaphore(%run_scoped3A : memref<!tpu.dma_semaphore, #tpu.memory_space<semaphore_mem>>) src(%arg15 : memref<32x64xf32, #tpu.memory_space<vmem>>) dst(%dma_wait3A_417 : memref<32x64xf32, #tpu.memory_space<vmem_shared>>)
      tpu.yield
    }) : () -> ()
    %add3A_303 = arith.constant 96 : i32
    %add3A_304 = arith.addi %multiple_of3A, %add3A_303 : i32
    "tpu.region"() ({
      %run_scoped3A = tpu.sem_alloc : memref<!tpu.dma_semaphore, #tpu.memory_space<semaphore_mem>>
      %dma_start3A_410 = arith.constant 0 : i32
      %dma_start3A_411 = tpu.memref_slice %arg19[%add3A_304, %dma_start3A_410] : memref<2048x64xf32, #tpu.memory_space<vmem_shared>> -> memref<32x64xf32, #tpu.memory_space<vmem_shared>>
      %dma_start3A_412 = arith.constant 0 : i32
      %dma_start3A_413 = tpu.memref_slice %arg19[%add3A_304, %dma_start3A_412] : memref<2048x64xf32, #tpu.memory_space<vmem_shared>> -> memref<32x64xf32, #tpu.memory_space<vmem_shared>>
      tpu.enqueue_dma source(%arg15 : memref<32x64xf32, #tpu.memory_space<vmem>>) target(%dma_start3A_413 : memref<32x64xf32, #tpu.memory_space<vmem_shared>>) target_semaphore(%run_scoped3A : memref<!tpu.dma_semaphore, #tpu.memory_space<semaphore_mem>>)
      %dma_wait3A_414 = arith.constant 0 : i32
      %dma_wait3A_415 = tpu.memref_slice %arg19[%add3A_304, %dma_wait3A_414] : memref<2048x64xf32, #tpu.memory_space<vmem_shared>> -> memref<32x64xf32, #tpu.memory_space<vmem_shared>>
      %dma_wait3A_416 = arith.constant 0 : i32
      %dma_wait3A_417 = tpu.memref_slice %arg19[%add3A_304, %dma_wait3A_416] : memref<2048x64xf32, #tpu.memory_space<vmem_shared>> -> memref<32x64xf32, #tpu.memory_space<vmem_shared>>
      tpu.wait_dma2 semaphore(%run_scoped3A : memref<!tpu.dma_semaphore, #tpu.memory_space<semaphore_mem>>) src(%arg15 : memref<32x64xf32, #tpu.memory_space<vmem>>) dst(%dma_wait3A_417 : memref<32x64xf32, #tpu.memory_space<vmem_shared>>)
      tpu.yield
    }) : () -> ()
    %add3A_305 = arith.constant 0 : i32
    %add3A_306 = arith.addi %multiple_of3A, %add3A_305 : i32
    "tpu.region"() ({
      %run_scoped3A = tpu.sem_alloc : memref<!tpu.dma_semaphore, #tpu.memory_space<semaphore_mem>>
      %dma_start3A_410 = arith.constant 0 : i32
      %dma_start3A_411 = tpu.memref_slice %arg20[%add3A_306, %dma_start3A_410] : memref<2048x64xf32, #tpu.memory_space<vmem_shared>> -> memref<32x64xf32, #tpu.memory_space<vmem_shared>>
      %dma_start3A_412 = arith.constant 0 : i32
      %dma_start3A_413 = tpu.memref_slice %arg20[%add3A_306, %dma_start3A_412] : memref<2048x64xf32, #tpu.memory_space<vmem_shared>> -> memref<32x64xf32, #tpu.memory_space<vmem_shared>>
      tpu.enqueue_dma source(%arg15 : memref<32x64xf32, #tpu.memory_space<vmem>>) target(%dma_start3A_413 : memref<32x64xf32, #tpu.memory_space<vmem_shared>>) target_semaphore(%run_scoped3A : memref<!tpu.dma_semaphore, #tpu.memory_space<semaphore_mem>>)
      %dma_wait3A_414 = arith.constant 0 : i32
      %dma_wait3A_415 = tpu.memref_slice %arg20[%add3A_306, %dma_wait3A_414] : memref<2048x64xf32, #tpu.memory_space<vmem_shared>> -> memref<32x64xf32, #tpu.memory_space<vmem_shared>>
      %dma_wait3A_416 = arith.constant 0 : i32
      %dma_wait3A_417 = tpu.memref_slice %arg20[%add3A_306, %dma_wait3A_416] : memref<2048x64xf32, #tpu.memory_space<vmem_shared>> -> memref<32x64xf32, #tpu.memory_space<vmem_shared>>
      tpu.wait_dma2 semaphore(%run_scoped3A : memref<!tpu.dma_semaphore, #tpu.memory_space<semaphore_mem>>) src(%arg15 : memref<32x64xf32, #tpu.memory_space<vmem>>) dst(%dma_wait3A_417 : memref<32x64xf32, #tpu.memory_space<vmem_shared>>)
      tpu.yield
    }) : () -> ()
    %add3A_307 = arith.constant 32 : i32
    %add3A_308 = arith.addi %multiple_of3A, %add3A_307 : i32
    "tpu.region"() ({
      %run_scoped3A = tpu.sem_alloc : memref<!tpu.dma_semaphore, #tpu.memory_space<semaphore_mem>>
      %dma_start3A_410 = arith.constant 0 : i32
      %dma_start3A_411 = tpu.memref_slice %arg20[%add3A_308, %dma_start3A_410] : memref<2048x64xf32, #tpu.memory_space<vmem_shared>> -> memref<32x64xf32, #tpu.memory_space<vmem_shared>>
      %dma_start3A_412 = arith.constant 0 : i32
      %dma_start3A_413 = tpu.memref_slice %arg20[%add3A_308, %dma_start3A_412] : memref<2048x64xf32, #tpu.memory_space<vmem_shared>> -> memref<32x64xf32, #tpu.memory_space<vmem_shared>>
      tpu.enqueue_dma source(%arg15 : memref<32x64xf32, #tpu.memory_space<vmem>>) target(%dma_start3A_413 : memref<32x64xf32, #tpu.memory_space<vmem_shared>>) target_semaphore(%run_scoped3A : memref<!tpu.dma_semaphore, #tpu.memory_space<semaphore_mem>>)
      %dma_wait3A_414 = arith.constant 0 : i32
      %dma_wait3A_415 = tpu.memref_slice %arg20[%add3A_308, %dma_wait3A_414] : memref<2048x64xf32, #tpu.memory_space<vmem_shared>> -> memref<32x64xf32, #tpu.memory_space<vmem_shared>>
      %dma_wait3A_416 = arith.constant 0 : i32
      %dma_wait3A_417 = tpu.memref_slice %arg20[%add3A_308, %dma_wait3A_416] : memref<2048x64xf32, #tpu.memory_space<vmem_shared>> -> memref<32x64xf32, #tpu.memory_space<vmem_shared>>
      tpu.wait_dma2 semaphore(%run_scoped3A : memref<!tpu.dma_semaphore, #tpu.memory_space<semaphore_mem>>) src(%arg15 : memref<32x64xf32, #tpu.memory_space<vmem>>) dst(%dma_wait3A_417 : memref<32x64xf32, #tpu.memory_space<vmem_shared>>)
      tpu.yield
    }) : () -> ()
    %add3A_309 = arith.constant 64 : i32
    %add3A_310 = arith.addi %multiple_of3A, %add3A_309 : i32
    "tpu.region"() ({
      %run_scoped3A = tpu.sem_alloc : memref<!tpu.dma_semaphore, #tpu.memory_space<semaphore_mem>>
      %dma_start3A_410 = arith.constant 0 : i32
      %dma_start3A_411 = tpu.memref_slice %arg20[%add3A_310, %dma_start3A_410] : memref<2048x64xf32, #tpu.memory_space<vmem_shared>> -> memref<32x64xf32, #tpu.memory_space<vmem_shared>>
      %dma_start3A_412 = arith.constant 0 : i32
      %dma_start3A_413 = tpu.memref_slice %arg20[%add3A_310, %dma_start3A_412] : memref<2048x64xf32, #tpu.memory_space<vmem_shared>> -> memref<32x64xf32, #tpu.memory_space<vmem_shared>>
      tpu.enqueue_dma source(%arg15 : memref<32x64xf32, #tpu.memory_space<vmem>>) target(%dma_start3A_413 : memref<32x64xf32, #tpu.memory_space<vmem_shared>>) target_semaphore(%run_scoped3A : memref<!tpu.dma_semaphore, #tpu.memory_space<semaphore_mem>>)
      %dma_wait3A_414 = arith.constant 0 : i32
      %dma_wait3A_415 = tpu.memref_slice %arg20[%add3A_310, %dma_wait3A_414] : memref<2048x64xf32, #tpu.memory_space<vmem_shared>> -> memref<32x64xf32, #tpu.memory_space<vmem_shared>>
      %dma_wait3A_416 = arith.constant 0 : i32
      %dma_wait3A_417 = tpu.memref_slice %arg20[%add3A_310, %dma_wait3A_416] : memref<2048x64xf32, #tpu.memory_space<vmem_shared>> -> memref<32x64xf32, #tpu.memory_space<vmem_shared>>
      tpu.wait_dma2 semaphore(%run_scoped3A : memref<!tpu.dma_semaphore, #tpu.memory_space<semaphore_mem>>) src(%arg15 : memref<32x64xf32, #tpu.memory_space<vmem>>) dst(%dma_wait3A_417 : memref<32x64xf32, #tpu.memory_space<vmem_shared>>)
      tpu.yield
    }) : () -> ()
    %add3A_311 = arith.constant 96 : i32
    %add3A_312 = arith.addi %multiple_of3A, %add3A_311 : i32
    "tpu.region"() ({
      %run_scoped3A = tpu.sem_alloc : memref<!tpu.dma_semaphore, #tpu.memory_space<semaphore_mem>>
      %dma_start3A_410 = arith.constant 0 : i32
      %dma_start3A_411 = tpu.memref_slice %arg20[%add3A_312, %dma_start3A_410] : memref<2048x64xf32, #tpu.memory_space<vmem_shared>> -> memref<32x64xf32, #tpu.memory_space<vmem_shared>>
      %dma_start3A_412 = arith.constant 0 : i32
      %dma_start3A_413 = tpu.memref_slice %arg20[%add3A_312, %dma_start3A_412] : memref<2048x64xf32, #tpu.memory_space<vmem_shared>> -> memref<32x64xf32, #tpu.memory_space<vmem_shared>>
      tpu.enqueue_dma source(%arg15 : memref<32x64xf32, #tpu.memory_space<vmem>>) target(%dma_start3A_413 : memref<32x64xf32, #tpu.memory_space<vmem_shared>>) target_semaphore(%run_scoped3A : memref<!tpu.dma_semaphore, #tpu.memory_space<semaphore_mem>>)
      %dma_wait3A_414 = arith.constant 0 : i32
      %dma_wait3A_415 = tpu.memref_slice %arg20[%add3A_312, %dma_wait3A_414] : memref<2048x64xf32, #tpu.memory_space<vmem_shared>> -> memref<32x64xf32, #tpu.memory_space<vmem_shared>>
      %dma_wait3A_416 = arith.constant 0 : i32
      %dma_wait3A_417 = tpu.memref_slice %arg20[%add3A_312, %dma_wait3A_416] : memref<2048x64xf32, #tpu.memory_space<vmem_shared>> -> memref<32x64xf32, #tpu.memory_space<vmem_shared>>
      tpu.wait_dma2 semaphore(%run_scoped3A : memref<!tpu.dma_semaphore, #tpu.memory_space<semaphore_mem>>) src(%arg15 : memref<32x64xf32, #tpu.memory_space<vmem>>) dst(%dma_wait3A_417 : memref<32x64xf32, #tpu.memory_space<vmem_shared>>)
      tpu.yield
    }) : () -> ()
    "tpu.region"() ({
      %run_scoped3A = tpu.sem_alloc : memref<!tpu.dma_semaphore, #tpu.memory_space<semaphore_mem>>
      %dma_start3A_410 = tpu.memref_slice %arg2[%multiple_of3A_8] : memref<819200xi32, #tpu.memory_space<hbm>> -> memref<25600xi32, #tpu.memory_space<hbm>>
      %dma_start3A_411 = tpu.memref_slice %arg2[%multiple_of3A_8] : memref<819200xi32, #tpu.memory_space<hbm>> -> memref<25600xi32, #tpu.memory_space<hbm>>
      tpu.enqueue_dma source(%dma_start3A_411 : memref<25600xi32, #tpu.memory_space<hbm>>) target(%arg11 : memref<25600xi32, #tpu.memory_space<vmem>>) target_semaphore(%run_scoped3A : memref<!tpu.dma_semaphore, #tpu.memory_space<semaphore_mem>>)
      %dma_wait3A_412 = tpu.memref_slice %arg2[%multiple_of3A_8] : memref<819200xi32, #tpu.memory_space<hbm>> -> memref<25600xi32, #tpu.memory_space<hbm>>
      %dma_wait3A_413 = tpu.memref_slice %arg2[%multiple_of3A_8] : memref<819200xi32, #tpu.memory_space<hbm>> -> memref<25600xi32, #tpu.memory_space<hbm>>
      tpu.wait_dma2 semaphore(%run_scoped3A : memref<!tpu.dma_semaphore, #tpu.memory_space<semaphore_mem>>) src(%dma_wait3A_413 : memref<25600xi32, #tpu.memory_space<hbm>>) dst(%arg11 : memref<25600xi32, #tpu.memory_space<vmem>>)
      tpu.yield
    }) : () -> ()
    %multiple_of3A_313 = arith.constant 0 : i32
    %multiple_of3A_314 = tpu.assume_multiple %multiple_of3A_313, 16 : i32
    %dma_start3A = tpu.memref_slice %arg11[%multiple_of3A_314] : memref<25600xi32, #tpu.memory_space<vmem>> -> memref<400xi32, #tpu.memory_space<vmem>>
    %dma_start3A_315 = arith.constant 0 : i32
    %dma_start3A_316 = arith.constant 0 : i32
    %dma_start3A_317 = tpu.memref_slice %arg5[%dma_start3A_315, %dma_start3A_316] : memref<1000000x64xf32, #tpu.memory_space<hbm>> -> memref<1000000x64xf32, #tpu.memory_space<hbm>>
    tpu.enqueue_indirect_dma source(%dma_start3A_317 : memref<1000000x64xf32, #tpu.memory_space<hbm>>) target(%arg13 : memref<400x64xf32, #tpu.memory_space<vmem>>) offsets(%dma_start3A : memref<400xi32, #tpu.memory_space<vmem>>) semaphore(%arg16 : memref<!tpu.dma_semaphore, #tpu.memory_space<semaphore_mem>>)
    %multiple_of3A_318 = arith.constant 400 : i32
    %multiple_of3A_319 = tpu.assume_multiple %multiple_of3A_318, 16 : i32
    %dma_start3A_320 = tpu.memref_slice %arg11[%multiple_of3A_319] : memref<25600xi32, #tpu.memory_space<vmem>> -> memref<400xi32, #tpu.memory_space<vmem>>
    %dma_start3A_321 = arith.constant 0 : i32
    %dma_start3A_322 = arith.constant 0 : i32
    %dma_start3A_323 = tpu.memref_slice %arg5[%dma_start3A_321, %dma_start3A_322] : memref<1000000x64xf32, #tpu.memory_space<hbm>> -> memref<1000000x64xf32, #tpu.memory_space<hbm>>
    tpu.enqueue_indirect_dma source(%dma_start3A_323 : memref<1000000x64xf32, #tpu.memory_space<hbm>>) target(%arg14 : memref<400x64xf32, #tpu.memory_space<vmem>>) offsets(%dma_start3A_320 : memref<400xi32, #tpu.memory_space<vmem>>) semaphore(%arg17 : memref<!tpu.dma_semaphore, #tpu.memory_space<semaphore_mem>>)
    %scan3A_324 = arith.constant 0 : i32
    %scan3A_325 = arith.constant 31 : i32
    %scan3A_326 = arith.addi %scan3A_324, %scan3A_325 : i32
    %scan3A_327 = arith.constant 1 : i32
    scf.for %scan3A_410 = %scan3A_324 to %scan3A_326 step %scan3A_327  : i32 {
      %mul3A_411 = arith.constant 2 : i32
      %mul3A_412 = arith.muli %scan3A_410, %mul3A_411 : i32
      %add3A_413 = arith.constant 0 : i32
      %add3A_414 = arith.addi %add3A_413, %mul3A_412 : i32
      %add3A_415 = arith.constant 0 : i32
      %add3A_416 = arith.addi %add3A_414, %add3A_415 : i32
      %multiple_of3A_417 = arith.constant 0 : i32
      %multiple_of3A_418 = tpu.assume_multiple %multiple_of3A_417, 16 : i32
      %dma_wait3A_419 = tpu.memref_slice %arg11[%multiple_of3A_418] : memref<25600xi32, #tpu.memory_space<vmem>> -> memref<400xi32, #tpu.memory_space<vmem>>
      %dma_wait3A_420 = arith.constant 0 : i32
      %dma_wait3A_421 = arith.constant 0 : i32
      %dma_wait3A_422 = tpu.memref_slice %arg5[%dma_wait3A_420, %dma_wait3A_421] : memref<1000000x64xf32, #tpu.memory_space<hbm>> -> memref<1000000x64xf32, #tpu.memory_space<hbm>>
      tpu.wait_indirect_dma semaphore(%arg16 : memref<!tpu.dma_semaphore, #tpu.memory_space<semaphore_mem>>) src(%dma_wait3A_422 : memref<1000000x64xf32, #tpu.memory_space<hbm>>) dst(%arg13 : memref<400x64xf32, #tpu.memory_space<vmem>>)
      %mul3A_423 = arith.constant 400 : i32
      %mul3A_424 = arith.muli %add3A_416, %mul3A_423 : i32
      %multiple_of3A_425 = tpu.assume_multiple %mul3A_424, 16 : i32
      "tpu.region"() ({
        %run_scoped3A = tpu.sem_alloc : memref<!tpu.dma_semaphore, #tpu.memory_space<semaphore_mem>>
        %dma_start3A_455 = tpu.memref_slice %arg12[%multiple_of3A_425] : memref<25600xi32, #tpu.memory_space<vmem>> -> memref<400xi32, #tpu.memory_space<vmem>>
        %dma_start3A_456 = arith.constant 0 : i32
        %dma_start3A_457 = arith.constant 0 : i32
        %dma_start3A_458 = tpu.memref_slice %arg18[%dma_start3A_456, %dma_start3A_457] : memref<2048x64xf32, #tpu.memory_space<vmem_shared>> -> memref<2048x64xf32, #tpu.memory_space<vmem_shared>>
        tpu.enqueue_indirect_dma source(%arg13 : memref<400x64xf32, #tpu.memory_space<vmem>>) target(%dma_start3A_458 : memref<2048x64xf32, #tpu.memory_space<vmem_shared>>) offsets(%dma_start3A_455 : memref<400xi32, #tpu.memory_space<vmem>>) semaphore(%run_scoped3A : memref<!tpu.dma_semaphore, #tpu.memory_space<semaphore_mem>>) {add = true}
        %dma_wait3A_459 = tpu.memref_slice %arg12[%multiple_of3A_425] : memref<25600xi32, #tpu.memory_space<vmem>> -> memref<400xi32, #tpu.memory_space<vmem>>
        %dma_wait3A_460 = arith.constant 0 : i32
        %dma_wait3A_461 = arith.constant 0 : i32
        %dma_wait3A_462 = tpu.memref_slice %arg18[%dma_wait3A_460, %dma_wait3A_461] : memref<2048x64xf32, #tpu.memory_space<vmem_shared>> -> memref<2048x64xf32, #tpu.memory_space<vmem_shared>>
        tpu.wait_indirect_dma semaphore(%run_scoped3A : memref<!tpu.dma_semaphore, #tpu.memory_space<semaphore_mem>>) src(%arg13 : memref<400x64xf32, #tpu.memory_space<vmem>>) dst(%dma_wait3A_462 : memref<2048x64xf32, #tpu.memory_space<vmem_shared>>)
        tpu.yield
      }) : () -> ()
      %add3A_426 = arith.constant 2 : i32
      %add3A_427 = arith.addi %add3A_416, %add3A_426 : i32
      %mul3A_428 = arith.constant 400 : i32
      %mul3A_429 = arith.muli %add3A_427, %mul3A_428 : i32
      %multiple_of3A_430 = tpu.assume_multiple %mul3A_429, 16 : i32
      %dma_start3A_431 = tpu.memref_slice %arg11[%multiple_of3A_430] : memref<25600xi32, #tpu.memory_space<vmem>> -> memref<400xi32, #tpu.memory_space<vmem>>
      %dma_start3A_432 = arith.constant 0 : i32
      %dma_start3A_433 = arith.constant 0 : i32
      %dma_start3A_434 = tpu.memref_slice %arg5[%dma_start3A_432, %dma_start3A_433] : memref<1000000x64xf32, #tpu.memory_space<hbm>> -> memref<1000000x64xf32, #tpu.memory_space<hbm>>
      tpu.enqueue_indirect_dma source(%dma_start3A_434 : memref<1000000x64xf32, #tpu.memory_space<hbm>>) target(%arg13 : memref<400x64xf32, #tpu.memory_space<vmem>>) offsets(%dma_start3A_431 : memref<400xi32, #tpu.memory_space<vmem>>) semaphore(%arg16 : memref<!tpu.dma_semaphore, #tpu.memory_space<semaphore_mem>>)
      %add3A_435 = arith.constant 1 : i32
      %add3A_436 = arith.addi %add3A_414, %add3A_435 : i32
      %multiple_of3A_437 = arith.constant 0 : i32
      %multiple_of3A_438 = tpu.assume_multiple %multiple_of3A_437, 16 : i32
      %dma_wait3A_439 = tpu.memref_slice %arg11[%multiple_of3A_438] : memref<25600xi32, #tpu.memory_space<vmem>> -> memref<400xi32, #tpu.memory_space<vmem>>
      %dma_wait3A_440 = arith.constant 0 : i32
      %dma_wait3A_441 = arith.constant 0 : i32
      %dma_wait3A_442 = tpu.memref_slice %arg5[%dma_wait3A_440, %dma_wait3A_441] : memref<1000000x64xf32, #tpu.memory_space<hbm>> -> memref<1000000x64xf32, #tpu.memory_space<hbm>>
      tpu.wait_indirect_dma semaphore(%arg17 : memref<!tpu.dma_semaphore, #tpu.memory_space<semaphore_mem>>) src(%dma_wait3A_442 : memref<1000000x64xf32, #tpu.memory_space<hbm>>) dst(%arg14 : memref<400x64xf32, #tpu.memory_space<vmem>>)
      %mul3A_443 = arith.constant 400 : i32
      %mul3A_444 = arith.muli %add3A_436, %mul3A_443 : i32
      %multiple_of3A_445 = tpu.assume_multiple %mul3A_444, 16 : i32
      "tpu.region"() ({
        %run_scoped3A = tpu.sem_alloc : memref<!tpu.dma_semaphore, #tpu.memory_space<semaphore_mem>>
        %dma_start3A_455 = tpu.memref_slice %arg12[%multiple_of3A_445] : memref<25600xi32, #tpu.memory_space<vmem>> -> memref<400xi32, #tpu.memory_space<vmem>>
        %dma_start3A_456 = arith.constant 0 : i32
        %dma_start3A_457 = arith.constant 0 : i32
        %dma_start3A_458 = tpu.memref_slice %arg18[%dma_start3A_456, %dma_start3A_457] : memref<2048x64xf32, #tpu.memory_space<vmem_shared>> -> memref<2048x64xf32, #tpu.memory_space<vmem_shared>>
        tpu.enqueue_indirect_dma source(%arg14 : memref<400x64xf32, #tpu.memory_space<vmem>>) target(%dma_start3A_458 : memref<2048x64xf32, #tpu.memory_space<vmem_shared>>) offsets(%dma_start3A_455 : memref<400xi32, #tpu.memory_space<vmem>>) semaphore(%run_scoped3A : memref<!tpu.dma_semaphore, #tpu.memory_space<semaphore_mem>>) {add = true}
        %dma_wait3A_459 = tpu.memref_slice %arg12[%multiple_of3A_445] : memref<25600xi32, #tpu.memory_space<vmem>> -> memref<400xi32, #tpu.memory_space<vmem>>
        %dma_wait3A_460 = arith.constant 0 : i32
        %dma_wait3A_461 = arith.constant 0 : i32
        %dma_wait3A_462 = tpu.memref_slice %arg18[%dma_wait3A_460, %dma_wait3A_461] : memref<2048x64xf32, #tpu.memory_space<vmem_shared>> -> memref<2048x64xf32, #tpu.memory_space<vmem_shared>>
        tpu.wait_indirect_dma semaphore(%run_scoped3A : memref<!tpu.dma_semaphore, #tpu.memory_space<semaphore_mem>>) src(%arg14 : memref<400x64xf32, #tpu.memory_space<vmem>>) dst(%dma_wait3A_462 : memref<2048x64xf32, #tpu.memory_space<vmem_shared>>)
        tpu.yield
      }) : () -> ()
      %add3A_446 = arith.constant 2 : i32
      %add3A_447 = arith.addi %add3A_436, %add3A_446 : i32
      %mul3A_448 = arith.constant 400 : i32
      %mul3A_449 = arith.muli %add3A_447, %mul3A_448 : i32
      %multiple_of3A_450 = tpu.assume_multiple %mul3A_449, 16 : i32
      %dma_start3A_451 = tpu.memref_slice %arg11[%multiple_of3A_450] : memref<25600xi32, #tpu.memory_space<vmem>> -> memref<400xi32, #tpu.memory_space<vmem>>
      %dma_start3A_452 = arith.constant 0 : i32
      %dma_start3A_453 = arith.constant 0 : i32
      %dma_start3A_454 = tpu.memref_slice %arg5[%dma_start3A_452, %dma_start3A_453] : memref<1000000x64xf32, #tpu.memory_space<hbm>> -> memref<1000000x64xf32, #tpu.memory_space<hbm>>
      tpu.enqueue_indirect_dma source(%dma_start3A_454 : memref<1000000x64xf32, #tpu.memory_space<hbm>>) target(%arg14 : memref<400x64xf32, #tpu.memory_space<vmem>>) offsets(%dma_start3A_451 : memref<400xi32, #tpu.memory_space<vmem>>) semaphore(%arg17 : memref<!tpu.dma_semaphore, #tpu.memory_space<semaphore_mem>>)
    }
    %scan3A_328 = arith.constant 31 : i32
    %multiple_of3A_329 = arith.constant 0 : i32
    %multiple_of3A_330 = tpu.assume_multiple %multiple_of3A_329, 16 : i32
    %dma_wait3A = tpu.memref_slice %arg11[%multiple_of3A_330] : memref<25600xi32, #tpu.memory_space<vmem>> -> memref<400xi32, #tpu.memory_space<vmem>>
    %dma_wait3A_331 = arith.constant 0 : i32
    %dma_wait3A_332 = arith.constant 0 : i32
    %dma_wait3A_333 = tpu.memref_slice %arg5[%dma_wait3A_331, %dma_wait3A_332] : memref<1000000x64xf32, #tpu.memory_space<hbm>> -> memref<1000000x64xf32, #tpu.memory_space<hbm>>
    tpu.wait_indirect_dma semaphore(%arg16 : memref<!tpu.dma_semaphore, #tpu.memory_space<semaphore_mem>>) src(%dma_wait3A_333 : memref<1000000x64xf32, #tpu.memory_space<hbm>>) dst(%arg13 : memref<400x64xf32, #tpu.memory_space<vmem>>)
    %multiple_of3A_334 = arith.constant 24800 : i32
    %multiple_of3A_335 = tpu.assume_multiple %multiple_of3A_334, 16 : i32
    "tpu.region"() ({
      %run_scoped3A = tpu.sem_alloc : memref<!tpu.dma_semaphore, #tpu.memory_space<semaphore_mem>>
      %dma_start3A_410 = tpu.memref_slice %arg12[%multiple_of3A_335] : memref<25600xi32, #tpu.memory_space<vmem>> -> memref<400xi32, #tpu.memory_space<vmem>>
      %dma_start3A_411 = arith.constant 0 : i32
      %dma_start3A_412 = arith.constant 0 : i32
      %dma_start3A_413 = tpu.memref_slice %arg18[%dma_start3A_411, %dma_start3A_412] : memref<2048x64xf32, #tpu.memory_space<vmem_shared>> -> memref<2048x64xf32, #tpu.memory_space<vmem_shared>>
      tpu.enqueue_indirect_dma source(%arg13 : memref<400x64xf32, #tpu.memory_space<vmem>>) target(%dma_start3A_413 : memref<2048x64xf32, #tpu.memory_space<vmem_shared>>) offsets(%dma_start3A_410 : memref<400xi32, #tpu.memory_space<vmem>>) semaphore(%run_scoped3A : memref<!tpu.dma_semaphore, #tpu.memory_space<semaphore_mem>>) {add = true}
      %dma_wait3A_414 = tpu.memref_slice %arg12[%multiple_of3A_335] : memref<25600xi32, #tpu.memory_space<vmem>> -> memref<400xi32, #tpu.memory_space<vmem>>
      %dma_wait3A_415 = arith.constant 0 : i32
      %dma_wait3A_416 = arith.constant 0 : i32
      %dma_wait3A_417 = tpu.memref_slice %arg18[%dma_wait3A_415, %dma_wait3A_416] : memref<2048x64xf32, #tpu.memory_space<vmem_shared>> -> memref<2048x64xf32, #tpu.memory_space<vmem_shared>>
      tpu.wait_indirect_dma semaphore(%run_scoped3A : memref<!tpu.dma_semaphore, #tpu.memory_space<semaphore_mem>>) src(%arg13 : memref<400x64xf32, #tpu.memory_space<vmem>>) dst(%dma_wait3A_417 : memref<2048x64xf32, #tpu.memory_space<vmem_shared>>)
      tpu.yield
    }) : () -> ()
    %multiple_of3A_336 = arith.constant 0 : i32
    %multiple_of3A_337 = tpu.assume_multiple %multiple_of3A_336, 16 : i32
    %dma_wait3A_338 = tpu.memref_slice %arg11[%multiple_of3A_337] : memref<25600xi32, #tpu.memory_space<vmem>> -> memref<400xi32, #tpu.memory_space<vmem>>
    %dma_wait3A_339 = arith.constant 0 : i32
    %dma_wait3A_340 = arith.constant 0 : i32
    %dma_wait3A_341 = tpu.memref_slice %arg5[%dma_wait3A_339, %dma_wait3A_340] : memref<1000000x64xf32, #tpu.memory_space<hbm>> -> memref<1000000x64xf32, #tpu.memory_space<hbm>>
    tpu.wait_indirect_dma semaphore(%arg17 : memref<!tpu.dma_semaphore, #tpu.memory_space<semaphore_mem>>) src(%dma_wait3A_341 : memref<1000000x64xf32, #tpu.memory_space<hbm>>) dst(%arg14 : memref<400x64xf32, #tpu.memory_space<vmem>>)
    %multiple_of3A_342 = arith.constant 25200 : i32
    %multiple_of3A_343 = tpu.assume_multiple %multiple_of3A_342, 16 : i32
    "tpu.region"() ({
      %run_scoped3A = tpu.sem_alloc : memref<!tpu.dma_semaphore, #tpu.memory_space<semaphore_mem>>
      %dma_start3A_410 = tpu.memref_slice %arg12[%multiple_of3A_343] : memref<25600xi32, #tpu.memory_space<vmem>> -> memref<400xi32, #tpu.memory_space<vmem>>
      %dma_start3A_411 = arith.constant 0 : i32
      %dma_start3A_412 = arith.constant 0 : i32
      %dma_start3A_413 = tpu.memref_slice %arg18[%dma_start3A_411, %dma_start3A_412] : memref<2048x64xf32, #tpu.memory_space<vmem_shared>> -> memref<2048x64xf32, #tpu.memory_space<vmem_shared>>
      tpu.enqueue_indirect_dma source(%arg14 : memref<400x64xf32, #tpu.memory_space<vmem>>) target(%dma_start3A_413 : memref<2048x64xf32, #tpu.memory_space<vmem_shared>>) offsets(%dma_start3A_410 : memref<400xi32, #tpu.memory_space<vmem>>) semaphore(%run_scoped3A : memref<!tpu.dma_semaphore, #tpu.memory_space<semaphore_mem>>) {add = true}
      %dma_wait3A_414 = tpu.memref_slice %arg12[%multiple_of3A_343] : memref<25600xi32, #tpu.memory_space<vmem>> -> memref<400xi32, #tpu.memory_space<vmem>>
      %dma_wait3A_415 = arith.constant 0 : i32
      %dma_wait3A_416 = arith.constant 0 : i32
      %dma_wait3A_417 = tpu.memref_slice %arg18[%dma_wait3A_415, %dma_wait3A_416] : memref<2048x64xf32, #tpu.memory_space<vmem_shared>> -> memref<2048x64xf32, #tpu.memory_space<vmem_shared>>
      tpu.wait_indirect_dma semaphore(%run_scoped3A : memref<!tpu.dma_semaphore, #tpu.memory_space<semaphore_mem>>) src(%arg14 : memref<400x64xf32, #tpu.memory_space<vmem>>) dst(%dma_wait3A_417 : memref<2048x64xf32, #tpu.memory_space<vmem_shared>>)
      tpu.yield
    }) : () -> ()
    "tpu.region"() ({
      %run_scoped3A = tpu.sem_alloc : memref<!tpu.dma_semaphore, #tpu.memory_space<semaphore_mem>>
      %dma_start3A_410 = tpu.memref_slice %arg3[%multiple_of3A_8] : memref<819200xi32, #tpu.memory_space<hbm>> -> memref<25600xi32, #tpu.memory_space<hbm>>
      %dma_start3A_411 = tpu.memref_slice %arg3[%multiple_of3A_8] : memref<819200xi32, #tpu.memory_space<hbm>> -> memref<25600xi32, #tpu.memory_space<hbm>>
      tpu.enqueue_dma source(%dma_start3A_411 : memref<25600xi32, #tpu.memory_space<hbm>>) target(%arg11 : memref<25600xi32, #tpu.memory_space<vmem>>) target_semaphore(%run_scoped3A : memref<!tpu.dma_semaphore, #tpu.memory_space<semaphore_mem>>)
      %dma_wait3A_412 = tpu.memref_slice %arg3[%multiple_of3A_8] : memref<819200xi32, #tpu.memory_space<hbm>> -> memref<25600xi32, #tpu.memory_space<hbm>>
      %dma_wait3A_413 = tpu.memref_slice %arg3[%multiple_of3A_8] : memref<819200xi32, #tpu.memory_space<hbm>> -> memref<25600xi32, #tpu.memory_space<hbm>>
      tpu.wait_dma2 semaphore(%run_scoped3A : memref<!tpu.dma_semaphore, #tpu.memory_space<semaphore_mem>>) src(%dma_wait3A_413 : memref<25600xi32, #tpu.memory_space<hbm>>) dst(%arg11 : memref<25600xi32, #tpu.memory_space<vmem>>)
      tpu.yield
    }) : () -> ()
    %multiple_of3A_344 = arith.constant 0 : i32
    %multiple_of3A_345 = tpu.assume_multiple %multiple_of3A_344, 16 : i32
    %dma_start3A_346 = tpu.memref_slice %arg11[%multiple_of3A_345] : memref<25600xi32, #tpu.memory_space<vmem>> -> memref<400xi32, #tpu.memory_space<vmem>>
    %dma_start3A_347 = arith.constant 0 : i32
    %dma_start3A_348 = arith.constant 0 : i32
    %dma_start3A_349 = tpu.memref_slice %arg6[%dma_start3A_347, %dma_start3A_348] : memref<100000x64xf32, #tpu.memory_space<hbm>> -> memref<100000x64xf32, #tpu.memory_space<hbm>>
    tpu.enqueue_indirect_dma source(%dma_start3A_349 : memref<100000x64xf32, #tpu.memory_space<hbm>>) target(%arg13 : memref<400x64xf32, #tpu.memory_space<vmem>>) offsets(%dma_start3A_346 : memref<400xi32, #tpu.memory_space<vmem>>) semaphore(%arg16 : memref<!tpu.dma_semaphore, #tpu.memory_space<semaphore_mem>>)
    %multiple_of3A_350 = arith.constant 400 : i32
    %multiple_of3A_351 = tpu.assume_multiple %multiple_of3A_350, 16 : i32
    %dma_start3A_352 = tpu.memref_slice %arg11[%multiple_of3A_351] : memref<25600xi32, #tpu.memory_space<vmem>> -> memref<400xi32, #tpu.memory_space<vmem>>
    %dma_start3A_353 = arith.constant 0 : i32
    %dma_start3A_354 = arith.constant 0 : i32
    %dma_start3A_355 = tpu.memref_slice %arg6[%dma_start3A_353, %dma_start3A_354] : memref<100000x64xf32, #tpu.memory_space<hbm>> -> memref<100000x64xf32, #tpu.memory_space<hbm>>
    tpu.enqueue_indirect_dma source(%dma_start3A_355 : memref<100000x64xf32, #tpu.memory_space<hbm>>) target(%arg14 : memref<400x64xf32, #tpu.memory_space<vmem>>) offsets(%dma_start3A_352 : memref<400xi32, #tpu.memory_space<vmem>>) semaphore(%arg17 : memref<!tpu.dma_semaphore, #tpu.memory_space<semaphore_mem>>)
    %scan3A_356 = arith.constant 0 : i32
    %scan3A_357 = arith.constant 31 : i32
    %scan3A_358 = arith.addi %scan3A_356, %scan3A_357 : i32
    %scan3A_359 = arith.constant 1 : i32
    scf.for %scan3A_410 = %scan3A_356 to %scan3A_358 step %scan3A_359  : i32 {
      %mul3A_411 = arith.constant 2 : i32
      %mul3A_412 = arith.muli %scan3A_410, %mul3A_411 : i32
      %add3A_413 = arith.constant 0 : i32
      %add3A_414 = arith.addi %add3A_413, %mul3A_412 : i32
      %add3A_415 = arith.constant 0 : i32
      %add3A_416 = arith.addi %add3A_414, %add3A_415 : i32
      %multiple_of3A_417 = arith.constant 0 : i32
      %multiple_of3A_418 = tpu.assume_multiple %multiple_of3A_417, 16 : i32
      %dma_wait3A_419 = tpu.memref_slice %arg11[%multiple_of3A_418] : memref<25600xi32, #tpu.memory_space<vmem>> -> memref<400xi32, #tpu.memory_space<vmem>>
      %dma_wait3A_420 = arith.constant 0 : i32
      %dma_wait3A_421 = arith.constant 0 : i32
      %dma_wait3A_422 = tpu.memref_slice %arg6[%dma_wait3A_420, %dma_wait3A_421] : memref<100000x64xf32, #tpu.memory_space<hbm>> -> memref<100000x64xf32, #tpu.memory_space<hbm>>
      tpu.wait_indirect_dma semaphore(%arg16 : memref<!tpu.dma_semaphore, #tpu.memory_space<semaphore_mem>>) src(%dma_wait3A_422 : memref<100000x64xf32, #tpu.memory_space<hbm>>) dst(%arg13 : memref<400x64xf32, #tpu.memory_space<vmem>>)
      %mul3A_423 = arith.constant 400 : i32
      %mul3A_424 = arith.muli %add3A_416, %mul3A_423 : i32
      %multiple_of3A_425 = tpu.assume_multiple %mul3A_424, 16 : i32
      "tpu.region"() ({
        %run_scoped3A = tpu.sem_alloc : memref<!tpu.dma_semaphore, #tpu.memory_space<semaphore_mem>>
        %dma_start3A_455 = tpu.memref_slice %arg12[%multiple_of3A_425] : memref<25600xi32, #tpu.memory_space<vmem>> -> memref<400xi32, #tpu.memory_space<vmem>>
        %dma_start3A_456 = arith.constant 0 : i32
        %dma_start3A_457 = arith.constant 0 : i32
        %dma_start3A_458 = tpu.memref_slice %arg19[%dma_start3A_456, %dma_start3A_457] : memref<2048x64xf32, #tpu.memory_space<vmem_shared>> -> memref<2048x64xf32, #tpu.memory_space<vmem_shared>>
        tpu.enqueue_indirect_dma source(%arg13 : memref<400x64xf32, #tpu.memory_space<vmem>>) target(%dma_start3A_458 : memref<2048x64xf32, #tpu.memory_space<vmem_shared>>) offsets(%dma_start3A_455 : memref<400xi32, #tpu.memory_space<vmem>>) semaphore(%run_scoped3A : memref<!tpu.dma_semaphore, #tpu.memory_space<semaphore_mem>>) {add = true}
        %dma_wait3A_459 = tpu.memref_slice %arg12[%multiple_of3A_425] : memref<25600xi32, #tpu.memory_space<vmem>> -> memref<400xi32, #tpu.memory_space<vmem>>
        %dma_wait3A_460 = arith.constant 0 : i32
        %dma_wait3A_461 = arith.constant 0 : i32
        %dma_wait3A_462 = tpu.memref_slice %arg19[%dma_wait3A_460, %dma_wait3A_461] : memref<2048x64xf32, #tpu.memory_space<vmem_shared>> -> memref<2048x64xf32, #tpu.memory_space<vmem_shared>>
        tpu.wait_indirect_dma semaphore(%run_scoped3A : memref<!tpu.dma_semaphore, #tpu.memory_space<semaphore_mem>>) src(%arg13 : memref<400x64xf32, #tpu.memory_space<vmem>>) dst(%dma_wait3A_462 : memref<2048x64xf32, #tpu.memory_space<vmem_shared>>)
        tpu.yield
      }) : () -> ()
      %add3A_426 = arith.constant 2 : i32
      %add3A_427 = arith.addi %add3A_416, %add3A_426 : i32
      %mul3A_428 = arith.constant 400 : i32
      %mul3A_429 = arith.muli %add3A_427, %mul3A_428 : i32
      %multiple_of3A_430 = tpu.assume_multiple %mul3A_429, 16 : i32
      %dma_start3A_431 = tpu.memref_slice %arg11[%multiple_of3A_430] : memref<25600xi32, #tpu.memory_space<vmem>> -> memref<400xi32, #tpu.memory_space<vmem>>
      %dma_start3A_432 = arith.constant 0 : i32
      %dma_start3A_433 = arith.constant 0 : i32
      %dma_start3A_434 = tpu.memref_slice %arg6[%dma_start3A_432, %dma_start3A_433] : memref<100000x64xf32, #tpu.memory_space<hbm>> -> memref<100000x64xf32, #tpu.memory_space<hbm>>
      tpu.enqueue_indirect_dma source(%dma_start3A_434 : memref<100000x64xf32, #tpu.memory_space<hbm>>) target(%arg13 : memref<400x64xf32, #tpu.memory_space<vmem>>) offsets(%dma_start3A_431 : memref<400xi32, #tpu.memory_space<vmem>>) semaphore(%arg16 : memref<!tpu.dma_semaphore, #tpu.memory_space<semaphore_mem>>)
      %add3A_435 = arith.constant 1 : i32
      %add3A_436 = arith.addi %add3A_414, %add3A_435 : i32
      %multiple_of3A_437 = arith.constant 0 : i32
      %multiple_of3A_438 = tpu.assume_multiple %multiple_of3A_437, 16 : i32
      %dma_wait3A_439 = tpu.memref_slice %arg11[%multiple_of3A_438] : memref<25600xi32, #tpu.memory_space<vmem>> -> memref<400xi32, #tpu.memory_space<vmem>>
      %dma_wait3A_440 = arith.constant 0 : i32
      %dma_wait3A_441 = arith.constant 0 : i32
      %dma_wait3A_442 = tpu.memref_slice %arg6[%dma_wait3A_440, %dma_wait3A_441] : memref<100000x64xf32, #tpu.memory_space<hbm>> -> memref<100000x64xf32, #tpu.memory_space<hbm>>
      tpu.wait_indirect_dma semaphore(%arg17 : memref<!tpu.dma_semaphore, #tpu.memory_space<semaphore_mem>>) src(%dma_wait3A_442 : memref<100000x64xf32, #tpu.memory_space<hbm>>) dst(%arg14 : memref<400x64xf32, #tpu.memory_space<vmem>>)
      %mul3A_443 = arith.constant 400 : i32
      %mul3A_444 = arith.muli %add3A_436, %mul3A_443 : i32
      %multiple_of3A_445 = tpu.assume_multiple %mul3A_444, 16 : i32
      "tpu.region"() ({
        %run_scoped3A = tpu.sem_alloc : memref<!tpu.dma_semaphore, #tpu.memory_space<semaphore_mem>>
        %dma_start3A_455 = tpu.memref_slice %arg12[%multiple_of3A_445] : memref<25600xi32, #tpu.memory_space<vmem>> -> memref<400xi32, #tpu.memory_space<vmem>>
        %dma_start3A_456 = arith.constant 0 : i32
        %dma_start3A_457 = arith.constant 0 : i32
        %dma_start3A_458 = tpu.memref_slice %arg19[%dma_start3A_456, %dma_start3A_457] : memref<2048x64xf32, #tpu.memory_space<vmem_shared>> -> memref<2048x64xf32, #tpu.memory_space<vmem_shared>>
        tpu.enqueue_indirect_dma source(%arg14 : memref<400x64xf32, #tpu.memory_space<vmem>>) target(%dma_start3A_458 : memref<2048x64xf32, #tpu.memory_space<vmem_shared>>) offsets(%dma_start3A_455 : memref<400xi32, #tpu.memory_space<vmem>>) semaphore(%run_scoped3A : memref<!tpu.dma_semaphore, #tpu.memory_space<semaphore_mem>>) {add = true}
        %dma_wait3A_459 = tpu.memref_slice %arg12[%multiple_of3A_445] : memref<25600xi32, #tpu.memory_space<vmem>> -> memref<400xi32, #tpu.memory_space<vmem>>
        %dma_wait3A_460 = arith.constant 0 : i32
        %dma_wait3A_461 = arith.constant 0 : i32
        %dma_wait3A_462 = tpu.memref_slice %arg19[%dma_wait3A_460, %dma_wait3A_461] : memref<2048x64xf32, #tpu.memory_space<vmem_shared>> -> memref<2048x64xf32, #tpu.memory_space<vmem_shared>>
        tpu.wait_indirect_dma semaphore(%run_scoped3A : memref<!tpu.dma_semaphore, #tpu.memory_space<semaphore_mem>>) src(%arg14 : memref<400x64xf32, #tpu.memory_space<vmem>>) dst(%dma_wait3A_462 : memref<2048x64xf32, #tpu.memory_space<vmem_shared>>)
        tpu.yield
      }) : () -> ()
      %add3A_446 = arith.constant 2 : i32
      %add3A_447 = arith.addi %add3A_436, %add3A_446 : i32
      %mul3A_448 = arith.constant 400 : i32
      %mul3A_449 = arith.muli %add3A_447, %mul3A_448 : i32
      %multiple_of3A_450 = tpu.assume_multiple %mul3A_449, 16 : i32
      %dma_start3A_451 = tpu.memref_slice %arg11[%multiple_of3A_450] : memref<25600xi32, #tpu.memory_space<vmem>> -> memref<400xi32, #tpu.memory_space<vmem>>
      %dma_start3A_452 = arith.constant 0 : i32
      %dma_start3A_453 = arith.constant 0 : i32
      %dma_start3A_454 = tpu.memref_slice %arg6[%dma_start3A_452, %dma_start3A_453] : memref<100000x64xf32, #tpu.memory_space<hbm>> -> memref<100000x64xf32, #tpu.memory_space<hbm>>
      tpu.enqueue_indirect_dma source(%dma_start3A_454 : memref<100000x64xf32, #tpu.memory_space<hbm>>) target(%arg14 : memref<400x64xf32, #tpu.memory_space<vmem>>) offsets(%dma_start3A_451 : memref<400xi32, #tpu.memory_space<vmem>>) semaphore(%arg17 : memref<!tpu.dma_semaphore, #tpu.memory_space<semaphore_mem>>)
    }
    %scan3A_360 = arith.constant 31 : i32
    %multiple_of3A_361 = arith.constant 0 : i32
    %multiple_of3A_362 = tpu.assume_multiple %multiple_of3A_361, 16 : i32
    %dma_wait3A_363 = tpu.memref_slice %arg11[%multiple_of3A_362] : memref<25600xi32, #tpu.memory_space<vmem>> -> memref<400xi32, #tpu.memory_space<vmem>>
    %dma_wait3A_364 = arith.constant 0 : i32
    %dma_wait3A_365 = arith.constant 0 : i32
    %dma_wait3A_366 = tpu.memref_slice %arg6[%dma_wait3A_364, %dma_wait3A_365] : memref<100000x64xf32, #tpu.memory_space<hbm>> -> memref<100000x64xf32, #tpu.memory_space<hbm>>
    tpu.wait_indirect_dma semaphore(%arg16 : memref<!tpu.dma_semaphore, #tpu.memory_space<semaphore_mem>>) src(%dma_wait3A_366 : memref<100000x64xf32, #tpu.memory_space<hbm>>) dst(%arg13 : memref<400x64xf32, #tpu.memory_space<vmem>>)
    %multiple_of3A_367 = arith.constant 24800 : i32
    %multiple_of3A_368 = tpu.assume_multiple %multiple_of3A_367, 16 : i32
    "tpu.region"() ({
      %run_scoped3A = tpu.sem_alloc : memref<!tpu.dma_semaphore, #tpu.memory_space<semaphore_mem>>
      %dma_start3A_410 = tpu.memref_slice %arg12[%multiple_of3A_368] : memref<25600xi32, #tpu.memory_space<vmem>> -> memref<400xi32, #tpu.memory_space<vmem>>
      %dma_start3A_411 = arith.constant 0 : i32
      %dma_start3A_412 = arith.constant 0 : i32
      %dma_start3A_413 = tpu.memref_slice %arg19[%dma_start3A_411, %dma_start3A_412] : memref<2048x64xf32, #tpu.memory_space<vmem_shared>> -> memref<2048x64xf32, #tpu.memory_space<vmem_shared>>
      tpu.enqueue_indirect_dma source(%arg13 : memref<400x64xf32, #tpu.memory_space<vmem>>) target(%dma_start3A_413 : memref<2048x64xf32, #tpu.memory_space<vmem_shared>>) offsets(%dma_start3A_410 : memref<400xi32, #tpu.memory_space<vmem>>) semaphore(%run_scoped3A : memref<!tpu.dma_semaphore, #tpu.memory_space<semaphore_mem>>) {add = true}
      %dma_wait3A_414 = tpu.memref_slice %arg12[%multiple_of3A_368] : memref<25600xi32, #tpu.memory_space<vmem>> -> memref<400xi32, #tpu.memory_space<vmem>>
      %dma_wait3A_415 = arith.constant 0 : i32
      %dma_wait3A_416 = arith.constant 0 : i32
      %dma_wait3A_417 = tpu.memref_slice %arg19[%dma_wait3A_415, %dma_wait3A_416] : memref<2048x64xf32, #tpu.memory_space<vmem_shared>> -> memref<2048x64xf32, #tpu.memory_space<vmem_shared>>
      tpu.wait_indirect_dma semaphore(%run_scoped3A : memref<!tpu.dma_semaphore, #tpu.memory_space<semaphore_mem>>) src(%arg13 : memref<400x64xf32, #tpu.memory_space<vmem>>) dst(%dma_wait3A_417 : memref<2048x64xf32, #tpu.memory_space<vmem_shared>>)
      tpu.yield
    }) : () -> ()
    %multiple_of3A_369 = arith.constant 0 : i32
    %multiple_of3A_370 = tpu.assume_multiple %multiple_of3A_369, 16 : i32
    %dma_wait3A_371 = tpu.memref_slice %arg11[%multiple_of3A_370] : memref<25600xi32, #tpu.memory_space<vmem>> -> memref<400xi32, #tpu.memory_space<vmem>>
    %dma_wait3A_372 = arith.constant 0 : i32
    %dma_wait3A_373 = arith.constant 0 : i32
    %dma_wait3A_374 = tpu.memref_slice %arg6[%dma_wait3A_372, %dma_wait3A_373] : memref<100000x64xf32, #tpu.memory_space<hbm>> -> memref<100000x64xf32, #tpu.memory_space<hbm>>
    tpu.wait_indirect_dma semaphore(%arg17 : memref<!tpu.dma_semaphore, #tpu.memory_space<semaphore_mem>>) src(%dma_wait3A_374 : memref<100000x64xf32, #tpu.memory_space<hbm>>) dst(%arg14 : memref<400x64xf32, #tpu.memory_space<vmem>>)
    %multiple_of3A_375 = arith.constant 25200 : i32
    %multiple_of3A_376 = tpu.assume_multiple %multiple_of3A_375, 16 : i32
    "tpu.region"() ({
      %run_scoped3A = tpu.sem_alloc : memref<!tpu.dma_semaphore, #tpu.memory_space<semaphore_mem>>
      %dma_start3A_410 = tpu.memref_slice %arg12[%multiple_of3A_376] : memref<25600xi32, #tpu.memory_space<vmem>> -> memref<400xi32, #tpu.memory_space<vmem>>
      %dma_start3A_411 = arith.constant 0 : i32
      %dma_start3A_412 = arith.constant 0 : i32
      %dma_start3A_413 = tpu.memref_slice %arg19[%dma_start3A_411, %dma_start3A_412] : memref<2048x64xf32, #tpu.memory_space<vmem_shared>> -> memref<2048x64xf32, #tpu.memory_space<vmem_shared>>
      tpu.enqueue_indirect_dma source(%arg14 : memref<400x64xf32, #tpu.memory_space<vmem>>) target(%dma_start3A_413 : memref<2048x64xf32, #tpu.memory_space<vmem_shared>>) offsets(%dma_start3A_410 : memref<400xi32, #tpu.memory_space<vmem>>) semaphore(%run_scoped3A : memref<!tpu.dma_semaphore, #tpu.memory_space<semaphore_mem>>) {add = true}
      %dma_wait3A_414 = tpu.memref_slice %arg12[%multiple_of3A_376] : memref<25600xi32, #tpu.memory_space<vmem>> -> memref<400xi32, #tpu.memory_space<vmem>>
      %dma_wait3A_415 = arith.constant 0 : i32
      %dma_wait3A_416 = arith.constant 0 : i32
      %dma_wait3A_417 = tpu.memref_slice %arg19[%dma_wait3A_415, %dma_wait3A_416] : memref<2048x64xf32, #tpu.memory_space<vmem_shared>> -> memref<2048x64xf32, #tpu.memory_space<vmem_shared>>
      tpu.wait_indirect_dma semaphore(%run_scoped3A : memref<!tpu.dma_semaphore, #tpu.memory_space<semaphore_mem>>) src(%arg14 : memref<400x64xf32, #tpu.memory_space<vmem>>) dst(%dma_wait3A_417 : memref<2048x64xf32, #tpu.memory_space<vmem_shared>>)
      tpu.yield
    }) : () -> ()
    "tpu.region"() ({
      %run_scoped3A = tpu.sem_alloc : memref<!tpu.dma_semaphore, #tpu.memory_space<semaphore_mem>>
      %dma_start3A_410 = tpu.memref_slice %arg4[%multiple_of3A_8] : memref<819200xi32, #tpu.memory_space<hbm>> -> memref<25600xi32, #tpu.memory_space<hbm>>
      %dma_start3A_411 = tpu.memref_slice %arg4[%multiple_of3A_8] : memref<819200xi32, #tpu.memory_space<hbm>> -> memref<25600xi32, #tpu.memory_space<hbm>>
      tpu.enqueue_dma source(%dma_start3A_411 : memref<25600xi32, #tpu.memory_space<hbm>>) target(%arg11 : memref<25600xi32, #tpu.memory_space<vmem>>) target_semaphore(%run_scoped3A : memref<!tpu.dma_semaphore, #tpu.memory_space<semaphore_mem>>)
      %dma_wait3A_412 = tpu.memref_slice %arg4[%multiple_of3A_8] : memref<819200xi32, #tpu.memory_space<hbm>> -> memref<25600xi32, #tpu.memory_space<hbm>>
      %dma_wait3A_413 = tpu.memref_slice %arg4[%multiple_of3A_8] : memref<819200xi32, #tpu.memory_space<hbm>> -> memref<25600xi32, #tpu.memory_space<hbm>>
      tpu.wait_dma2 semaphore(%run_scoped3A : memref<!tpu.dma_semaphore, #tpu.memory_space<semaphore_mem>>) src(%dma_wait3A_413 : memref<25600xi32, #tpu.memory_space<hbm>>) dst(%arg11 : memref<25600xi32, #tpu.memory_space<vmem>>)
      tpu.yield
    }) : () -> ()
    %multiple_of3A_377 = arith.constant 0 : i32
    %multiple_of3A_378 = tpu.assume_multiple %multiple_of3A_377, 16 : i32
    %dma_start3A_379 = tpu.memref_slice %arg11[%multiple_of3A_378] : memref<25600xi32, #tpu.memory_space<vmem>> -> memref<400xi32, #tpu.memory_space<vmem>>
    %dma_start3A_380 = arith.constant 0 : i32
    %dma_start3A_381 = arith.constant 0 : i32
    %dma_start3A_382 = tpu.memref_slice %arg7[%dma_start3A_380, %dma_start3A_381] : memref<100000x64xf32, #tpu.memory_space<hbm>> -> memref<100000x64xf32, #tpu.memory_space<hbm>>
    tpu.enqueue_indirect_dma source(%dma_start3A_382 : memref<100000x64xf32, #tpu.memory_space<hbm>>) target(%arg13 : memref<400x64xf32, #tpu.memory_space<vmem>>) offsets(%dma_start3A_379 : memref<400xi32, #tpu.memory_space<vmem>>) semaphore(%arg16 : memref<!tpu.dma_semaphore, #tpu.memory_space<semaphore_mem>>)
    %multiple_of3A_383 = arith.constant 400 : i32
    %multiple_of3A_384 = tpu.assume_multiple %multiple_of3A_383, 16 : i32
    %dma_start3A_385 = tpu.memref_slice %arg11[%multiple_of3A_384] : memref<25600xi32, #tpu.memory_space<vmem>> -> memref<400xi32, #tpu.memory_space<vmem>>
    %dma_start3A_386 = arith.constant 0 : i32
    %dma_start3A_387 = arith.constant 0 : i32
    %dma_start3A_388 = tpu.memref_slice %arg7[%dma_start3A_386, %dma_start3A_387] : memref<100000x64xf32, #tpu.memory_space<hbm>> -> memref<100000x64xf32, #tpu.memory_space<hbm>>
    tpu.enqueue_indirect_dma source(%dma_start3A_388 : memref<100000x64xf32, #tpu.memory_space<hbm>>) target(%arg14 : memref<400x64xf32, #tpu.memory_space<vmem>>) offsets(%dma_start3A_385 : memref<400xi32, #tpu.memory_space<vmem>>) semaphore(%arg17 : memref<!tpu.dma_semaphore, #tpu.memory_space<semaphore_mem>>)
    %scan3A_389 = arith.constant 0 : i32
    %scan3A_390 = arith.constant 31 : i32
    %scan3A_391 = arith.addi %scan3A_389, %scan3A_390 : i32
    %scan3A_392 = arith.constant 1 : i32
    scf.for %scan3A_410 = %scan3A_389 to %scan3A_391 step %scan3A_392  : i32 {
      %mul3A_411 = arith.constant 2 : i32
      %mul3A_412 = arith.muli %scan3A_410, %mul3A_411 : i32
      %add3A_413 = arith.constant 0 : i32
      %add3A_414 = arith.addi %add3A_413, %mul3A_412 : i32
      %add3A_415 = arith.constant 0 : i32
      %add3A_416 = arith.addi %add3A_414, %add3A_415 : i32
      %multiple_of3A_417 = arith.constant 0 : i32
      %multiple_of3A_418 = tpu.assume_multiple %multiple_of3A_417, 16 : i32
      %dma_wait3A_419 = tpu.memref_slice %arg11[%multiple_of3A_418] : memref<25600xi32, #tpu.memory_space<vmem>> -> memref<400xi32, #tpu.memory_space<vmem>>
      %dma_wait3A_420 = arith.constant 0 : i32
      %dma_wait3A_421 = arith.constant 0 : i32
      %dma_wait3A_422 = tpu.memref_slice %arg7[%dma_wait3A_420, %dma_wait3A_421] : memref<100000x64xf32, #tpu.memory_space<hbm>> -> memref<100000x64xf32, #tpu.memory_space<hbm>>
      tpu.wait_indirect_dma semaphore(%arg16 : memref<!tpu.dma_semaphore, #tpu.memory_space<semaphore_mem>>) src(%dma_wait3A_422 : memref<100000x64xf32, #tpu.memory_space<hbm>>) dst(%arg13 : memref<400x64xf32, #tpu.memory_space<vmem>>)
      %mul3A_423 = arith.constant 400 : i32
      %mul3A_424 = arith.muli %add3A_416, %mul3A_423 : i32
      %multiple_of3A_425 = tpu.assume_multiple %mul3A_424, 16 : i32
      "tpu.region"() ({
        %run_scoped3A = tpu.sem_alloc : memref<!tpu.dma_semaphore, #tpu.memory_space<semaphore_mem>>
        %dma_start3A_455 = tpu.memref_slice %arg12[%multiple_of3A_425] : memref<25600xi32, #tpu.memory_space<vmem>> -> memref<400xi32, #tpu.memory_space<vmem>>
        %dma_start3A_456 = arith.constant 0 : i32
        %dma_start3A_457 = arith.constant 0 : i32
        %dma_start3A_458 = tpu.memref_slice %arg20[%dma_start3A_456, %dma_start3A_457] : memref<2048x64xf32, #tpu.memory_space<vmem_shared>> -> memref<2048x64xf32, #tpu.memory_space<vmem_shared>>
        tpu.enqueue_indirect_dma source(%arg13 : memref<400x64xf32, #tpu.memory_space<vmem>>) target(%dma_start3A_458 : memref<2048x64xf32, #tpu.memory_space<vmem_shared>>) offsets(%dma_start3A_455 : memref<400xi32, #tpu.memory_space<vmem>>) semaphore(%run_scoped3A : memref<!tpu.dma_semaphore, #tpu.memory_space<semaphore_mem>>) {add = true}
        %dma_wait3A_459 = tpu.memref_slice %arg12[%multiple_of3A_425] : memref<25600xi32, #tpu.memory_space<vmem>> -> memref<400xi32, #tpu.memory_space<vmem>>
        %dma_wait3A_460 = arith.constant 0 : i32
        %dma_wait3A_461 = arith.constant 0 : i32
        %dma_wait3A_462 = tpu.memref_slice %arg20[%dma_wait3A_460, %dma_wait3A_461] : memref<2048x64xf32, #tpu.memory_space<vmem_shared>> -> memref<2048x64xf32, #tpu.memory_space<vmem_shared>>
        tpu.wait_indirect_dma semaphore(%run_scoped3A : memref<!tpu.dma_semaphore, #tpu.memory_space<semaphore_mem>>) src(%arg13 : memref<400x64xf32, #tpu.memory_space<vmem>>) dst(%dma_wait3A_462 : memref<2048x64xf32, #tpu.memory_space<vmem_shared>>)
        tpu.yield
      }) : () -> ()
      %add3A_426 = arith.constant 2 : i32
      %add3A_427 = arith.addi %add3A_416, %add3A_426 : i32
      %mul3A_428 = arith.constant 400 : i32
      %mul3A_429 = arith.muli %add3A_427, %mul3A_428 : i32
      %multiple_of3A_430 = tpu.assume_multiple %mul3A_429, 16 : i32
      %dma_start3A_431 = tpu.memref_slice %arg11[%multiple_of3A_430] : memref<25600xi32, #tpu.memory_space<vmem>> -> memref<400xi32, #tpu.memory_space<vmem>>
      %dma_start3A_432 = arith.constant 0 : i32
      %dma_start3A_433 = arith.constant 0 : i32
      %dma_start3A_434 = tpu.memref_slice %arg7[%dma_start3A_432, %dma_start3A_433] : memref<100000x64xf32, #tpu.memory_space<hbm>> -> memref<100000x64xf32, #tpu.memory_space<hbm>>
      tpu.enqueue_indirect_dma source(%dma_start3A_434 : memref<100000x64xf32, #tpu.memory_space<hbm>>) target(%arg13 : memref<400x64xf32, #tpu.memory_space<vmem>>) offsets(%dma_start3A_431 : memref<400xi32, #tpu.memory_space<vmem>>) semaphore(%arg16 : memref<!tpu.dma_semaphore, #tpu.memory_space<semaphore_mem>>)
      %add3A_435 = arith.constant 1 : i32
      %add3A_436 = arith.addi %add3A_414, %add3A_435 : i32
      %multiple_of3A_437 = arith.constant 0 : i32
      %multiple_of3A_438 = tpu.assume_multiple %multiple_of3A_437, 16 : i32
      %dma_wait3A_439 = tpu.memref_slice %arg11[%multiple_of3A_438] : memref<25600xi32, #tpu.memory_space<vmem>> -> memref<400xi32, #tpu.memory_space<vmem>>
      %dma_wait3A_440 = arith.constant 0 : i32
      %dma_wait3A_441 = arith.constant 0 : i32
      %dma_wait3A_442 = tpu.memref_slice %arg7[%dma_wait3A_440, %dma_wait3A_441] : memref<100000x64xf32, #tpu.memory_space<hbm>> -> memref<100000x64xf32, #tpu.memory_space<hbm>>
      tpu.wait_indirect_dma semaphore(%arg17 : memref<!tpu.dma_semaphore, #tpu.memory_space<semaphore_mem>>) src(%dma_wait3A_442 : memref<100000x64xf32, #tpu.memory_space<hbm>>) dst(%arg14 : memref<400x64xf32, #tpu.memory_space<vmem>>)
      %mul3A_443 = arith.constant 400 : i32
      %mul3A_444 = arith.muli %add3A_436, %mul3A_443 : i32
      %multiple_of3A_445 = tpu.assume_multiple %mul3A_444, 16 : i32
      "tpu.region"() ({
        %run_scoped3A = tpu.sem_alloc : memref<!tpu.dma_semaphore, #tpu.memory_space<semaphore_mem>>
        %dma_start3A_455 = tpu.memref_slice %arg12[%multiple_of3A_445] : memref<25600xi32, #tpu.memory_space<vmem>> -> memref<400xi32, #tpu.memory_space<vmem>>
        %dma_start3A_456 = arith.constant 0 : i32
        %dma_start3A_457 = arith.constant 0 : i32
        %dma_start3A_458 = tpu.memref_slice %arg20[%dma_start3A_456, %dma_start3A_457] : memref<2048x64xf32, #tpu.memory_space<vmem_shared>> -> memref<2048x64xf32, #tpu.memory_space<vmem_shared>>
        tpu.enqueue_indirect_dma source(%arg14 : memref<400x64xf32, #tpu.memory_space<vmem>>) target(%dma_start3A_458 : memref<2048x64xf32, #tpu.memory_space<vmem_shared>>) offsets(%dma_start3A_455 : memref<400xi32, #tpu.memory_space<vmem>>) semaphore(%run_scoped3A : memref<!tpu.dma_semaphore, #tpu.memory_space<semaphore_mem>>) {add = true}
        %dma_wait3A_459 = tpu.memref_slice %arg12[%multiple_of3A_445] : memref<25600xi32, #tpu.memory_space<vmem>> -> memref<400xi32, #tpu.memory_space<vmem>>
        %dma_wait3A_460 = arith.constant 0 : i32
        %dma_wait3A_461 = arith.constant 0 : i32
        %dma_wait3A_462 = tpu.memref_slice %arg20[%dma_wait3A_460, %dma_wait3A_461] : memref<2048x64xf32, #tpu.memory_space<vmem_shared>> -> memref<2048x64xf32, #tpu.memory_space<vmem_shared>>
        tpu.wait_indirect_dma semaphore(%run_scoped3A : memref<!tpu.dma_semaphore, #tpu.memory_space<semaphore_mem>>) src(%arg14 : memref<400x64xf32, #tpu.memory_space<vmem>>) dst(%dma_wait3A_462 : memref<2048x64xf32, #tpu.memory_space<vmem_shared>>)
        tpu.yield
      }) : () -> ()
      %add3A_446 = arith.constant 2 : i32
      %add3A_447 = arith.addi %add3A_436, %add3A_446 : i32
      %mul3A_448 = arith.constant 400 : i32
      %mul3A_449 = arith.muli %add3A_447, %mul3A_448 : i32
      %multiple_of3A_450 = tpu.assume_multiple %mul3A_449, 16 : i32
      %dma_start3A_451 = tpu.memref_slice %arg11[%multiple_of3A_450] : memref<25600xi32, #tpu.memory_space<vmem>> -> memref<400xi32, #tpu.memory_space<vmem>>
      %dma_start3A_452 = arith.constant 0 : i32
      %dma_start3A_453 = arith.constant 0 : i32
      %dma_start3A_454 = tpu.memref_slice %arg7[%dma_start3A_452, %dma_start3A_453] : memref<100000x64xf32, #tpu.memory_space<hbm>> -> memref<100000x64xf32, #tpu.memory_space<hbm>>
      tpu.enqueue_indirect_dma source(%dma_start3A_454 : memref<100000x64xf32, #tpu.memory_space<hbm>>) target(%arg14 : memref<400x64xf32, #tpu.memory_space<vmem>>) offsets(%dma_start3A_451 : memref<400xi32, #tpu.memory_space<vmem>>) semaphore(%arg17 : memref<!tpu.dma_semaphore, #tpu.memory_space<semaphore_mem>>)
    }
    %scan3A_393 = arith.constant 31 : i32
    %multiple_of3A_394 = arith.constant 0 : i32
    %multiple_of3A_395 = tpu.assume_multiple %multiple_of3A_394, 16 : i32
    %dma_wait3A_396 = tpu.memref_slice %arg11[%multiple_of3A_395] : memref<25600xi32, #tpu.memory_space<vmem>> -> memref<400xi32, #tpu.memory_space<vmem>>
    %dma_wait3A_397 = arith.constant 0 : i32
    %dma_wait3A_398 = arith.constant 0 : i32
    %dma_wait3A_399 = tpu.memref_slice %arg7[%dma_wait3A_397, %dma_wait3A_398] : memref<100000x64xf32, #tpu.memory_space<hbm>> -> memref<100000x64xf32, #tpu.memory_space<hbm>>
    tpu.wait_indirect_dma semaphore(%arg16 : memref<!tpu.dma_semaphore, #tpu.memory_space<semaphore_mem>>) src(%dma_wait3A_399 : memref<100000x64xf32, #tpu.memory_space<hbm>>) dst(%arg13 : memref<400x64xf32, #tpu.memory_space<vmem>>)
    %multiple_of3A_400 = arith.constant 24800 : i32
    %multiple_of3A_401 = tpu.assume_multiple %multiple_of3A_400, 16 : i32
    "tpu.region"() ({
      %run_scoped3A = tpu.sem_alloc : memref<!tpu.dma_semaphore, #tpu.memory_space<semaphore_mem>>
      %dma_start3A_410 = tpu.memref_slice %arg12[%multiple_of3A_401] : memref<25600xi32, #tpu.memory_space<vmem>> -> memref<400xi32, #tpu.memory_space<vmem>>
      %dma_start3A_411 = arith.constant 0 : i32
      %dma_start3A_412 = arith.constant 0 : i32
      %dma_start3A_413 = tpu.memref_slice %arg20[%dma_start3A_411, %dma_start3A_412] : memref<2048x64xf32, #tpu.memory_space<vmem_shared>> -> memref<2048x64xf32, #tpu.memory_space<vmem_shared>>
      tpu.enqueue_indirect_dma source(%arg13 : memref<400x64xf32, #tpu.memory_space<vmem>>) target(%dma_start3A_413 : memref<2048x64xf32, #tpu.memory_space<vmem_shared>>) offsets(%dma_start3A_410 : memref<400xi32, #tpu.memory_space<vmem>>) semaphore(%run_scoped3A : memref<!tpu.dma_semaphore, #tpu.memory_space<semaphore_mem>>) {add = true}
      %dma_wait3A_414 = tpu.memref_slice %arg12[%multiple_of3A_401] : memref<25600xi32, #tpu.memory_space<vmem>> -> memref<400xi32, #tpu.memory_space<vmem>>
      %dma_wait3A_415 = arith.constant 0 : i32
      %dma_wait3A_416 = arith.constant 0 : i32
      %dma_wait3A_417 = tpu.memref_slice %arg20[%dma_wait3A_415, %dma_wait3A_416] : memref<2048x64xf32, #tpu.memory_space<vmem_shared>> -> memref<2048x64xf32, #tpu.memory_space<vmem_shared>>
      tpu.wait_indirect_dma semaphore(%run_scoped3A : memref<!tpu.dma_semaphore, #tpu.memory_space<semaphore_mem>>) src(%arg13 : memref<400x64xf32, #tpu.memory_space<vmem>>) dst(%dma_wait3A_417 : memref<2048x64xf32, #tpu.memory_space<vmem_shared>>)
      tpu.yield
    }) : () -> ()
    %multiple_of3A_402 = arith.constant 0 : i32
    %multiple_of3A_403 = tpu.assume_multiple %multiple_of3A_402, 16 : i32
    %dma_wait3A_404 = tpu.memref_slice %arg11[%multiple_of3A_403] : memref<25600xi32, #tpu.memory_space<vmem>> -> memref<400xi32, #tpu.memory_space<vmem>>
    %dma_wait3A_405 = arith.constant 0 : i32
    %dma_wait3A_406 = arith.constant 0 : i32
    %dma_wait3A_407 = tpu.memref_slice %arg7[%dma_wait3A_405, %dma_wait3A_406] : memref<100000x64xf32, #tpu.memory_space<hbm>> -> memref<100000x64xf32, #tpu.memory_space<hbm>>
    tpu.wait_indirect_dma semaphore(%arg17 : memref<!tpu.dma_semaphore, #tpu.memory_space<semaphore_mem>>) src(%dma_wait3A_407 : memref<100000x64xf32, #tpu.memory_space<hbm>>) dst(%arg14 : memref<400x64xf32, #tpu.memory_space<vmem>>)
    %multiple_of3A_408 = arith.constant 25200 : i32
    %multiple_of3A_409 = tpu.assume_multiple %multiple_of3A_408, 16 : i32
    "tpu.region"() ({
      %run_scoped3A = tpu.sem_alloc : memref<!tpu.dma_semaphore, #tpu.memory_space<semaphore_mem>>
      %dma_start3A_410 = tpu.memref_slice %arg12[%multiple_of3A_409] : memref<25600xi32, #tpu.memory_space<vmem>> -> memref<400xi32, #tpu.memory_space<vmem>>
      %dma_start3A_411 = arith.constant 0 : i32
      %dma_start3A_412 = arith.constant 0 : i32
      %dma_start3A_413 = tpu.memref_slice %arg20[%dma_start3A_411, %dma_start3A_412] : memref<2048x64xf32, #tpu.memory_space<vmem_shared>> -> memref<2048x64xf32, #tpu.memory_space<vmem_shared>>
      tpu.enqueue_indirect_dma source(%arg14 : memref<400x64xf32, #tpu.memory_space<vmem>>) target(%dma_start3A_413 : memref<2048x64xf32, #tpu.memory_space<vmem_shared>>) offsets(%dma_start3A_410 : memref<400xi32, #tpu.memory_space<vmem>>) semaphore(%run_scoped3A : memref<!tpu.dma_semaphore, #tpu.memory_space<semaphore_mem>>) {add = true}
      %dma_wait3A_414 = tpu.memref_slice %arg12[%multiple_of3A_409] : memref<25600xi32, #tpu.memory_space<vmem>> -> memref<400xi32, #tpu.memory_space<vmem>>
      %dma_wait3A_415 = arith.constant 0 : i32
      %dma_wait3A_416 = arith.constant 0 : i32
      %dma_wait3A_417 = tpu.memref_slice %arg20[%dma_wait3A_415, %dma_wait3A_416] : memref<2048x64xf32, #tpu.memory_space<vmem_shared>> -> memref<2048x64xf32, #tpu.memory_space<vmem_shared>>
      tpu.wait_indirect_dma semaphore(%run_scoped3A : memref<!tpu.dma_semaphore, #tpu.memory_space<semaphore_mem>>) src(%arg14 : memref<400x64xf32, #tpu.memory_space<vmem>>) dst(%dma_wait3A_417 : memref<2048x64xf32, #tpu.memory_space<vmem_shared>>)
      tpu.yield
    }) : () -> ()
    "tpu.region"() ({
      %run_scoped3A = tpu.sem_alloc : memref<!tpu.dma_semaphore, #tpu.memory_space<semaphore_mem>>
      %dma_start3A_410 = arith.constant 0 : i32
      %dma_start3A_411 = tpu.memref_slice %arg8[%multiple_of3A_5, %dma_start3A_410] : memref<4096x64xf32, #tpu.memory_space<hbm>> -> memref<128x64xf32, #tpu.memory_space<hbm>>
      %dma_start3A_412 = arith.constant 0 : i32
      %dma_start3A_413 = tpu.memref_slice %arg18[%multiple_of3A, %dma_start3A_412] : memref<2048x64xf32, #tpu.memory_space<vmem_shared>> -> memref<128x64xf32, #tpu.memory_space<vmem_shared>>
      tpu.enqueue_dma source(%dma_start3A_413 : memref<128x64xf32, #tpu.memory_space<vmem_shared>>) target(%dma_start3A_411 : memref<128x64xf32, #tpu.memory_space<hbm>>) target_semaphore(%run_scoped3A : memref<!tpu.dma_semaphore, #tpu.memory_space<semaphore_mem>>)
      %dma_wait3A_414 = arith.constant 0 : i32
      %dma_wait3A_415 = tpu.memref_slice %arg8[%multiple_of3A_5, %dma_wait3A_414] : memref<4096x64xf32, #tpu.memory_space<hbm>> -> memref<128x64xf32, #tpu.memory_space<hbm>>
      %dma_wait3A_416 = arith.constant 0 : i32
      %dma_wait3A_417 = tpu.memref_slice %arg18[%multiple_of3A, %dma_wait3A_416] : memref<2048x64xf32, #tpu.memory_space<vmem_shared>> -> memref<128x64xf32, #tpu.memory_space<vmem_shared>>
      tpu.wait_dma2 semaphore(%run_scoped3A : memref<!tpu.dma_semaphore, #tpu.memory_space<semaphore_mem>>) src(%dma_wait3A_417 : memref<128x64xf32, #tpu.memory_space<vmem_shared>>) dst(%dma_wait3A_415 : memref<128x64xf32, #tpu.memory_space<hbm>>)
      tpu.yield
    }) : () -> ()
    "tpu.region"() ({
      %run_scoped3A = tpu.sem_alloc : memref<!tpu.dma_semaphore, #tpu.memory_space<semaphore_mem>>
      %dma_start3A_410 = arith.constant 0 : i32
      %dma_start3A_411 = tpu.memref_slice %arg9[%multiple_of3A_5, %dma_start3A_410] : memref<4096x64xf32, #tpu.memory_space<hbm>> -> memref<128x64xf32, #tpu.memory_space<hbm>>
      %dma_start3A_412 = arith.constant 0 : i32
      %dma_start3A_413 = tpu.memref_slice %arg19[%multiple_of3A, %dma_start3A_412] : memref<2048x64xf32, #tpu.memory_space<vmem_shared>> -> memref<128x64xf32, #tpu.memory_space<vmem_shared>>
      tpu.enqueue_dma source(%dma_start3A_413 : memref<128x64xf32, #tpu.memory_space<vmem_shared>>) target(%dma_start3A_411 : memref<128x64xf32, #tpu.memory_space<hbm>>) target_semaphore(%run_scoped3A : memref<!tpu.dma_semaphore, #tpu.memory_space<semaphore_mem>>)
      %dma_wait3A_414 = arith.constant 0 : i32
      %dma_wait3A_415 = tpu.memref_slice %arg9[%multiple_of3A_5, %dma_wait3A_414] : memref<4096x64xf32, #tpu.memory_space<hbm>> -> memref<128x64xf32, #tpu.memory_space<hbm>>
      %dma_wait3A_416 = arith.constant 0 : i32
      %dma_wait3A_417 = tpu.memref_slice %arg19[%multiple_of3A, %dma_wait3A_416] : memref<2048x64xf32, #tpu.memory_space<vmem_shared>> -> memref<128x64xf32, #tpu.memory_space<vmem_shared>>
      tpu.wait_dma2 semaphore(%run_scoped3A : memref<!tpu.dma_semaphore, #tpu.memory_space<semaphore_mem>>) src(%dma_wait3A_417 : memref<128x64xf32, #tpu.memory_space<vmem_shared>>) dst(%dma_wait3A_415 : memref<128x64xf32, #tpu.memory_space<hbm>>)
      tpu.yield
    }) : () -> ()
    "tpu.region"() ({
      %run_scoped3A = tpu.sem_alloc : memref<!tpu.dma_semaphore, #tpu.memory_space<semaphore_mem>>
      %dma_start3A_410 = arith.constant 0 : i32
      %dma_start3A_411 = tpu.memref_slice %arg10[%multiple_of3A_5, %dma_start3A_410] : memref<4096x64xf32, #tpu.memory_space<hbm>> -> memref<128x64xf32, #tpu.memory_space<hbm>>
      %dma_start3A_412 = arith.constant 0 : i32
      %dma_start3A_413 = tpu.memref_slice %arg20[%multiple_of3A, %dma_start3A_412] : memref<2048x64xf32, #tpu.memory_space<vmem_shared>> -> memref<128x64xf32, #tpu.memory_space<vmem_shared>>
      tpu.enqueue_dma source(%dma_start3A_413 : memref<128x64xf32, #tpu.memory_space<vmem_shared>>) target(%dma_start3A_411 : memref<128x64xf32, #tpu.memory_space<hbm>>) target_semaphore(%run_scoped3A : memref<!tpu.dma_semaphore, #tpu.memory_space<semaphore_mem>>)
      %dma_wait3A_414 = arith.constant 0 : i32
      %dma_wait3A_415 = tpu.memref_slice %arg10[%multiple_of3A_5, %dma_wait3A_414] : memref<4096x64xf32, #tpu.memory_space<hbm>> -> memref<128x64xf32, #tpu.memory_space<hbm>>
      %dma_wait3A_416 = arith.constant 0 : i32
      %dma_wait3A_417 = tpu.memref_slice %arg20[%multiple_of3A, %dma_wait3A_416] : memref<2048x64xf32, #tpu.memory_space<vmem_shared>> -> memref<128x64xf32, #tpu.memory_space<vmem_shared>>
      tpu.wait_dma2 semaphore(%run_scoped3A : memref<!tpu.dma_semaphore, #tpu.memory_space<semaphore_mem>>) src(%dma_wait3A_417 : memref<128x64xf32, #tpu.memory_space<vmem_shared>>) dst(%dma_wait3A_415 : memref<128x64xf32, #tpu.memory_space<hbm>>)
      tpu.yield
    }) : () -> ()
    return
  }
}

module attributes {stable_mosaic.version = 14 : i64} {
  func.func @_mlp_body(%arg0: i32, %arg1: memref<512x64xf32, #tpu.memory_space<vmem>>, %arg2: memref<512x64xf32, #tpu.memory_space<vmem>>, %arg3: memref<512x64xf32, #tpu.memory_space<vmem>>, %arg4: memref<192x256xf32, #tpu.memory_space<vmem>>, %arg5: memref<1x256xf32, #tpu.memory_space<vmem>>, %arg6: memref<256x128xf32, #tpu.memory_space<vmem>>, %arg7: memref<1x128xf32, #tpu.memory_space<vmem>>, %arg8: memref<512x128xf32, #tpu.memory_space<vmem>>) attributes {dimension_semantics = [#tpu.dimension_semantics<arbitrary>], iteration_bounds = array<i64: 8>, scalar_prefetch = 0 : i64, scratch_operands = 0 : i64, tpu.core_type = #tpu.core_type<tc>, window_params = [{transform_indices = @transform_0, window_bounds = array<i64: 512, 64>}, {transform_indices = @transform_1, window_bounds = array<i64: 512, 64>}, {transform_indices = @transform_2, window_bounds = array<i64: 512, 64>}, {pipeline_mode = #tpu.pipeline_mode<synchronous>, transform_indices = @transform_3, window_bounds = array<i64: 192, 256>}, {pipeline_mode = #tpu.pipeline_mode<synchronous>, transform_indices = @transform_4, window_bounds = array<i64: 1, 256>}, {pipeline_mode = #tpu.pipeline_mode<synchronous>, transform_indices = @transform_5, window_bounds = array<i64: 256, 128>}, {pipeline_mode = #tpu.pipeline_mode<synchronous>, transform_indices = @transform_6, window_bounds = array<i64: 1, 128>}, {transform_indices = @transform_7, window_bounds = array<i64: 512, 128>}]} {
    %get3A = arith.constant 0 : index
    %get3A_0 = arith.constant 0 : index
    %get3A_1 = vector.load %arg1[%get3A, %get3A_0] : memref<512x64xf32, #tpu.memory_space<vmem>>, vector<512x64xf32>
    %get3A_2 = arith.constant 0 : index
    %get3A_3 = arith.constant 0 : index
    %get3A_4 = vector.load %arg4[%get3A_2, %get3A_3] : memref<192x256xf32, #tpu.memory_space<vmem>>, vector<64x256xf32>
    %dot_general3A = arith.constant dense<0.000000e+00> : vector<512x256xf32>
    %dot_general3A_5 = tpu.matmul %get3A_1, %get3A_4, %dot_general3A {dimension_numbers = #tpu.dot_dimension_numbers<[1], [0], [0], [1], [0, 0, 1, 1], [], []>, transpose_lhs_hint = false} : vector<512x64xf32>, vector<64x256xf32>, vector<512x256xf32> -> vector<512x256xf32>
    %get3A_6 = arith.constant 0 : index
    %get3A_7 = arith.constant 0 : index
    %get3A_8 = vector.load %arg2[%get3A_6, %get3A_7] : memref<512x64xf32, #tpu.memory_space<vmem>>, vector<512x64xf32>
    %get3A_9 = arith.constant 64 : index
    %get3A_10 = arith.constant 0 : index
    %get3A_11 = vector.load %arg4[%get3A_9, %get3A_10] : memref<192x256xf32, #tpu.memory_space<vmem>>, vector<64x256xf32>
    %dot_general3A_12 = arith.constant dense<0.000000e+00> : vector<512x256xf32>
    %dot_general3A_13 = tpu.matmul %get3A_8, %get3A_11, %dot_general3A_12 {dimension_numbers = #tpu.dot_dimension_numbers<[1], [0], [0], [1], [0, 0, 1, 1], [], []>, transpose_lhs_hint = false} : vector<512x64xf32>, vector<64x256xf32>, vector<512x256xf32> -> vector<512x256xf32>
    %add3A = arith.addf %dot_general3A_5, %dot_general3A_13 : vector<512x256xf32>
    %get3A_14 = arith.constant 0 : index
    %get3A_15 = arith.constant 0 : index
    %get3A_16 = vector.load %arg3[%get3A_14, %get3A_15] : memref<512x64xf32, #tpu.memory_space<vmem>>, vector<512x64xf32>
    %get3A_17 = arith.constant 128 : index
    %get3A_18 = arith.constant 0 : index
    %get3A_19 = vector.load %arg4[%get3A_17, %get3A_18] : memref<192x256xf32, #tpu.memory_space<vmem>>, vector<64x256xf32>
    %dot_general3A_20 = arith.constant dense<0.000000e+00> : vector<512x256xf32>
    %dot_general3A_21 = tpu.matmul %get3A_16, %get3A_19, %dot_general3A_20 {dimension_numbers = #tpu.dot_dimension_numbers<[1], [0], [0], [1], [0, 0, 1, 1], [], []>, transpose_lhs_hint = false} : vector<512x64xf32>, vector<64x256xf32>, vector<512x256xf32> -> vector<512x256xf32>
    %add3A_22 = arith.addf %add3A, %dot_general3A_21 : vector<512x256xf32>
    %mul3A = arith.constant 5.000000e-03 : f32
    %mul3A_23 = vector.broadcast %mul3A : f32 to vector<512x256xf32>
    %mul3A_24 = arith.mulf %add3A_22, %mul3A_23 : vector<512x256xf32>
    %get3A_25 = arith.constant 0 : index
    %get3A_26 = arith.constant 0 : index
    %get3A_27 = vector.load %arg5[%get3A_25, %get3A_26] : memref<1x256xf32, #tpu.memory_space<vmem>>, vector<1x256xf32>
    %add3A_28 = vector.broadcast %get3A_27 : vector<1x256xf32> to vector<512x256xf32>
    %add3A_29 = arith.addf %mul3A_24, %add3A_28 : vector<512x256xf32>
    %max3A = arith.constant 0.000000e+00 : f32
    %max3A_30 = vector.broadcast %max3A : f32 to vector<512x256xf32>
    %max3A_31 = arith.maximumf %add3A_29, %max3A_30 : vector<512x256xf32>
    %get3A_32 = arith.constant 0 : index
    %get3A_33 = arith.constant 0 : index
    %get3A_34 = vector.load %arg6[%get3A_32, %get3A_33] : memref<256x128xf32, #tpu.memory_space<vmem>>, vector<256x128xf32>
    %dot_general3A_35 = arith.constant dense<0.000000e+00> : vector<512x128xf32>
    %dot_general3A_36 = tpu.matmul %max3A_31, %get3A_34, %dot_general3A_35 {dimension_numbers = #tpu.dot_dimension_numbers<[1], [0], [0], [1], [0, 0, 1, 1], [], []>, transpose_lhs_hint = false} : vector<512x256xf32>, vector<256x128xf32>, vector<512x128xf32> -> vector<512x128xf32>
    %get3A_37 = arith.constant 0 : index
    %get3A_38 = arith.constant 0 : index
    %get3A_39 = vector.load %arg7[%get3A_37, %get3A_38] : memref<1x128xf32, #tpu.memory_space<vmem>>, vector<1x128xf32>
    %add3A_40 = vector.broadcast %get3A_39 : vector<1x128xf32> to vector<512x128xf32>
    %add3A_41 = arith.addf %dot_general3A_36, %add3A_40 : vector<512x128xf32>
    %swap3A = arith.constant 0 : index
    %swap3A_42 = arith.constant 0 : index
    %swap3A_43 = vector.load %arg8[%swap3A, %swap3A_42] : memref<512x128xf32, #tpu.memory_space<vmem>>, vector<512x128xf32>
    tpu.vector_store %arg8[%swap3A, %swap3A_42], %add3A_41 {strides = array<i32>} : memref<512x128xf32, #tpu.memory_space<vmem>>, vector<512x128xf32>,
    return
  }
  func.func @transform_0(%arg0: i32) -> (i32, i32) {
    %c0_i32 = arith.constant 0 : i32
    %c0_i32_0 = arith.constant 0 : i32
    return %arg0, %c0_i32 : i32, i32
  }
  func.func @transform_1(%arg0: i32) -> (i32, i32) {
    %c0_i32 = arith.constant 0 : i32
    %c0_i32_0 = arith.constant 0 : i32
    return %arg0, %c0_i32 : i32, i32
  }
  func.func @transform_2(%arg0: i32) -> (i32, i32) {
    %c0_i32 = arith.constant 0 : i32
    %c0_i32_0 = arith.constant 0 : i32
    return %arg0, %c0_i32 : i32, i32
  }
  func.func @transform_3(%arg0: i32) -> (i32, i32) {
    %c0_i32 = arith.constant 0 : i32
    %c0_i32_0 = arith.constant 0 : i32
    %c0_i32_1 = arith.constant 0 : i32
    return %c0_i32, %c0_i32_0 : i32, i32
  }
  func.func @transform_4(%arg0: i32) -> (i32, i32) {
    %c0_i32 = arith.constant 0 : i32
    %c0_i32_0 = arith.constant 0 : i32
    %c0_i32_1 = arith.constant 0 : i32
    return %c0_i32, %c0_i32_0 : i32, i32
  }
  func.func @transform_5(%arg0: i32) -> (i32, i32) {
    %c0_i32 = arith.constant 0 : i32
    %c0_i32_0 = arith.constant 0 : i32
    %c0_i32_1 = arith.constant 0 : i32
    return %c0_i32, %c0_i32_0 : i32, i32
  }
  func.func @transform_6(%arg0: i32) -> (i32, i32) {
    %c0_i32 = arith.constant 0 : i32
    %c0_i32_0 = arith.constant 0 : i32
    %c0_i32_1 = arith.constant 0 : i32
    return %c0_i32, %c0_i32_0 : i32, i32
  }
  func.func @transform_7(%arg0: i32) -> (i32, i32) {
    %c0_i32 = arith.constant 0 : i32
    %c0_i32_0 = arith.constant 0 : i32
    return %arg0, %c0_i32 : i32, i32
  }
}

</mosaic_0001>

<sc_bundles>
// kernel: kernel.4.cloned.1.call-start
scs
__scs_entry_jumppad:
0x0: {  	(pc) =	sbr.rel $0x88, $3  }
0x1: {  	(tag) =	ssettag $0x0;
	lr =	simm.s32 $0x1  }
0x2: {  	[smem:$0x3F97] =	sst lr;
	_ =	strace $0xD0000000  }
0x3: {  	_ = 	snop  }
0x4: {  	_ = 	snop  }
0x5: {  	_ = 	snop  }
0x6: {  	_ = 	snop  }
0x7: {  	_ = 	snop  }
__scs_overlays_trampoline_lowered:
0x8: {  	[smem:$0x3FA6] =	sst s0  }
0x9: {  	[smem:$0x3FA7] =	sst s1  }
0xa: {  	[smem:$0x3FA8] =	sst s2  }
0xb: {  	[smem:$0x3FA9] =	sst s3  }
0xc: {  	[smem:$0x3FAA] =	sst s4  }
0xd: {  	[smem:$0x3FAB] =	sst s5  }
0xe: {  	[smem:$0x3FAC] =	sst s6  }
0xf: {  	[smem:$0x3FAD] =	sst s7  }
0x10: {  	[smem:$0x3FAE] =	sst s8  }
0x11: {  	[smem:$0x3FAF] =	sst s9;
	s0 =	simm.s32 @!p0 $0x0  }
0x12: {  	s1 =	sld [smem:$0x3F95];
	s0 =	simm.s32 @p0 $0x1  }
0x13: {  	[smem:$0x3FB0] =	sst s0;
	s0 =	simm.s32 @!p1 $0x0  }
0x14: {  	s2 =	sld [smem:$0x3F94];
	s0 =	simm.s32 @p1 $0x1  }
0x15: {  	[smem:$0x3FB1] =	sst s0;
	s0 =	simm.s32 @!p2 $0x0  }
0x16: {  	s3 =	sld [smem:$0x3FDB];
	s0 =	simm.s32 @p2 $0x1  }
0x17: {  	s4 =	simm.s32 $0x1BF5;
	[smem:$0x3FB3] =	sst s0  }
0x18: {  	s0 =	sld [smem:$0x3F96];
	_ =	swait.ge [sflag:s4], $0x0  }
0x19: {  	s7 =	sld [smem:$0x3F97]  }
0x1a: {  	s8 =	sadd.s32 $0xFFFFE003, lr  }
0x1b: {  	s9 =	sadd.s32 $0xFFFFFEF7, lr;
	s5 =	simm.s32 $0xFFFFFFFF;
	p2 =	slt.u32 s8, $0xFFFFF086  }
0x1c: {  	p1 =	slt.u32 s9, $0xF7A;
	s5 =	simm.s32 @!p2 $0x0  }
0x1d: {  	s5 =	simm.s32 @p1 $0x1;
	p0 =	seq.s32 s7, s2  }
0x1e: {  	s7 =	smul.u32 @!p0 $0xF7A, s2;
	p2 =	seq.s32 @!p0 s5, $0x0  }
0x1f: {  	s9 =	smul.u32 $0xF7A, s1;
	s8 =	simm.s32 @!p0 $0x1BF5;
	p2 =	por !p2, p0  }
0x20: {  	[sflag:s8] =	ssyncset.s32 @!p0 $0xFFFFF086;
	s6 =	sadd.s32 @!p0 s3, s7;
	s7 =	simm.s32 @!p0 $0x108  }
0x21: {  	s3 =	sadd.s32 s3, s9;
	s6 =	sadd.s32 @!p0 $0x88, s6;
	s7 =	simm.s32 @p2 $0x1082  }
0x22: {  	[simem:s7], [sflag:s8] =	dma.local @!p0 [hbm:s6], $0xF7A  }
0x23: {  	s9 =	sor.u32 $0xD0000000, s2;
	s6 =	simm.s32 $0x108;
	_ =	swait.ge @!p0 [sflag:s8], $0x0  }
0x24: {  	s3 =	sadd.s32 $0x88, s3;
	s6 =	simm.s32 @!p1 $0x1082;
	[sflag:s4] =	ssyncset.s32 $0xFFFFF086  }
0x25: {  	[simem:s6], [sflag:s4] =	dma.local [hbm:s3], $0xF7A  }
0x26: {  	[smem:$0x3F97] =	sst s1;
	(tag) =	ssettag s2;
	_ =	strace s9  }
0x27: {  	s1 =	sld [smem:$0x3FA7]  }
0x28: {  	s2 =	sld [smem:$0x3FA8]  }
0x29: {  	s4 =	sld [smem:$0x3FAA]  }
0x2a: {  	p0 =	seq.s32 s5, $0x0;
	s5 =	sld [smem:$0x3FAB]  }
0x2b: {  	s6 =	sld [smem:$0x3FAC]  }
0x2c: {  	s7 =	sld [smem:$0x3FAD]  }
0x2d: {  	s3 =	simm.s32 $0x108;
	s8 =	sld [smem:$0x3FAE]  }
0x2e: {  	s3 =	simm.s32 @!p0 $0x1082;
	s9 =	sld [smem:$0x3FAF]  }
0x2f: {  	lr =	sadd.s32 s0, s3;
	s0 =	sld [smem:$0x3FA6]  }
0x30: {  	s3 =	sld [smem:$0x3FA9]  }
0x31: {  	[smem:$0x3FB2] =	sst s10  }
0x32: {  	s10 =	sld [smem:$0x3FB0];
	_ =	sdelay $0x3  }
0x33: {  	p0 =	seq.s32 s10, $0x1;
	s10 =	sld [smem:$0x3FB2];
	_ =	sdelay $0x3  }
0x34: {  	[smem:$0x3FB2] =	sst s10  }
0x35: {  	s10 =	sld [smem:$0x3FB1];
	_ =	sdelay $0x3  }
0x36: {  	p1 =	seq.s32 s10, $0x1;
	s10 =	sld [smem:$0x3FB2];
	_ =	sdelay $0x3  }
0x37: {  	[smem:$0x3FB2] =	sst s10  }
0x38: {  	s10 =	sld [smem:$0x3FB3]  }
0x39: {  	_ = 	snop;
	(pc) =	sbr.ind lr, $3  }
0x3a: {  	_ = 	snop  }
0x3b: {  	_ = 	snop  }
0x3c: {  	p2 =	seq.s32 s10, $0x1;
	s10 =	sld [smem:$0x3FB2]  }
0x3d: {  	_ =	shalt  }
0x3e: {  	_ =	shalt  }
0x3f: {  	_ =	shalt  }
0x40: {  	_ =	shalt  }
0x41: {  	_ =	shalt  }
0x42: {  	_ =	shalt  }
0x43: {  	_ =	shalt  }
0x44: {  	_ =	shalt  }
0x45: {  	_ =	shalt  }
0x46: {  	_ =	shalt  }
0x47: {  	_ =	shalt  }
0x48: {  	_ =	shalt  }
0x49: {  	_ =	shalt  }
0x4a: {  	_ =	shalt  }
0x4b: {  	_ =	shalt  }
0x4c: {  	_ =	shalt  }
0x4d: {  	_ =	shalt  }
0x4e: {  	_ =	shalt  }
0x4f: {  	_ =	shalt  }
0x50: {  	_ =	shalt  }
0x51: {  	_ =	shalt  }
0x52: {  	_ =	shalt  }
0x53: {  	_ =	shalt  }
0x54: {  	_ =	shalt  }
0x55: {  	_ =	shalt  }
0x56: {  	_ =	shalt  }
0x57: {  	_ =	shalt  }
0x58: {  	_ =	shalt  }
0x59: {  	_ =	shalt  }
0x5a: {  	_ =	shalt  }
0x5b: {  	_ =	shalt  }
0x5c: {  	_ =	shalt  }
0x5d: {  	_ =	shalt  }
0x5e: {  	_ =	shalt  }
0x5f: {  	_ =	shalt  }
0x60: {  	_ =	shalt  }
0x61: {  	_ =	shalt  }
0x62: {  	_ =	shalt  }
0x63: {  	_ =	shalt  }
0x64: {  	_ =	shalt  }
0x65: {  	_ =	shalt  }
0x66: {  	_ =	shalt  }
0x67: {  	_ =	shalt  }
0x68: {  	_ =	shalt  }
0x69: {  	_ =	shalt  }
0x6a: {  	_ =	shalt  }
0x6b: {  	_ =	shalt  }
0x6c: {  	_ =	shalt  }
0x6d: {  	_ =	shalt  }
0x6e: {  	_ =	shalt  }
0x6f: {  	_ =	shalt  }
0x70: {  	_ =	shalt  }
0x71: {  	_ =	shalt  }
0x72: {  	_ =	shalt  }
0x73: {  	_ =	shalt  }
0x74: {  	_ =	shalt  }
0x75: {  	_ =	shalt  }
0x76: {  	_ =	shalt  }
0x77: {  	_ =	shalt  }
0x78: {  	_ =	shalt  }
0x79: {  	_ =	shalt  }
0x7a: {  	_ =	shalt  }
0x7b: {  	_ =	shalt  }
0x7c: {  	_ =	shalt  }
0x7d: {  	_ =	shalt  }
0x7e: {  	_ =	shalt  }
0x7f: {  	_ =	shalt  }
0x80: {  	_ =	shalt  }
0x81: {  	_ =	shalt  }
0x82: {  	_ =	shalt  }
0x83: {  	_ =	shalt  }
0x84: {  	_ =	shalt  }
0x85: {  	_ =	shalt  }
0x86: {  	_ =	shalt  }
0x87: {  	_ =	shalt  }
.Lfunc_end0:
.L_simem_size_0:
called_computation_lowered:
.L_overlay_start_0:
0x88: {  	s2 =	sld [smem:$0x3FD9]  }
0x89: {  	s3 =	sld [smem:$0x3FFE];
	_ =	sdelay $0x1  }
0x8a: {  	s1 =	srdreg.scid  }
0x8b: {  	s0 =	sand.u32 $0x1, s1  }
0x8c: {  	s16 =	sshll.u32 s0, $0xA;
	s2 =	sadd.s32 s3, s2  }
0x8d: {  	s2 =	sadd.s32 s2, s16  }
0x8e: {  	[smem:$0x3FBE] =	sst s2  }
0x8f: {  	_ = 	snop  }
0x90: {  	(tm) =	ssettm $0x1  }
0x91: {  	s17 =	sld [smem:$0x3FFB];
	_ =	sdelay $0x3  }
0x92: {  	_ =	strace s17  }
0x93: {  	s2 =	sld [smem:$0x3FFC];
	_ =	sdelay $0x3  }
0x94: {  	_ =	strace s2  }
0x95: {  	s2 =	sld [smem:$0x3FFD];
	_ =	sdelay $0x3  }
0x96: {  	_ =	strace s2  }
0x97: {  	_ =	strace $0x8FFFFFFF  }
0x98: {  	s18 =	sld [smem:$0x3FDB];
	_ =	sdelay $0x1  }
0x99: {  	s19 =	simm.s32 $_scs_section_size  }
0x9a: {  	s4 =	simm.s32 $_size__tile_overlayer_lowered;
	s5 =	simm.s32 $_tile_overlayer_lowered  }
0x9b: {  	s22 =	simm.s32 $0x1BFF;
	s21 =	sshll.u32 s5, $0x1;
	s2 =	sadd.s32 s19, s18  }
0x9c: {  	s6 =	simm.s32 $0x0;
	s20 =	sshll.u32 s4, $0x1;
	s4 =	sadd.s32 s21, s2  }
0x9d: {  	[timem:s6], [sflag:s22] =	dma.local [hbm:s4], s20  }
0x9e: {  	_ =	swait.ge [sflag:s22], s20  }
0x9f: {  	s3 =	ssub.s32 $0x0, s20;
	[sflag:s22] =	ssyncset.done $0x0  }
0xa0: {  	[sflag:s22] =	ssyncadd.s32 s3;
	_ =	sdelay $0x1  }
0xa1: {  	s23 =	simm.s32 $0x1B8B  }
0xa2: {  	_ =	swait.ge [sflag:s23], $0x1  }
0xa3: {  	[sflag:s23] =	ssyncset.done $0x0  }
0xa4: {  	s25 =	simm.s32 $0x1B8E;
	s24 =	sld [smem:$0x3FFE];
	[sflag:s23] =	ssyncadd.s32 $0xFFFFFFFF  }
0xa5: {  	s26 =	simm.s32 $execute0_lowered;
	[smem:$0x3FD2] =	sst s25  }
0xa6: {  	s4 =	sshll.u32 s26, $0x1;
	_ =	strace $0x80000046;
	[dreg:$0x1] =	wrdreg $0xFFFFFFFF  }
0xa7: {  	s28 =	simm.s32 $_size_execute0_lowered;
	s2 =	sadd.s32 s2, s4;
	[dreg:$0x0] =	wrdreg $0x0  }
0xa8: {  	s4 =	sshll.u32 s28, $0x1;
	[dreg:$0x2] =	wrdreg s2  }
0xa9: {  	[dreg:$0x3] =	wrdreg s4  }
0xaa: {  	[dreg:$0x4] =	wrdreg $0xC0  }
0xab: {  	_ =	task [dreg:s6], $0x5FFFF  }
0xac: {  	[dreg:$0x1] =	wrdreg $0xFFFFFFFF  }
0xad: {  	[dreg:$0x0] =	wrdreg $0x60  }
0xae: {  	[dreg:$0x2] =	wrdreg s24  }
0xaf: {  	[dreg:$0x3] =	wrdreg $0x198000  }
0xb0: {  	[dreg:$0x4] =	wrdreg $0x1B8000  }
0xb1: {  	[dreg:$0x5] =	wrdreg $0x1D8000  }
0xb2: {  	[dreg:$0x6] =	wrdreg $0x9  }
0xb3: {  	_ =	task.clear_ibuf [dreg:s6], $0x7FFFF;
	_ =	strace $0x90000046  }
0xb4: {  	s29 =	simm.s32 $0x9;
	_ =	strace $0x80000048  }
0xb5: {  	_ =	swait.ge [sflag:s29], $0x1  }
0xb6: {  	[sflag:s29] =	ssyncadd.s32 $0xFFFFFFFF  }
0xb7: {  	_ =	strace $0x90000048  }
0xb8: {  	_ =	sfence  }
0xb9: {  	s30 =	sld [smem:$0x0];
	_ =	sdelay $0x2  }
0xba: {  	s31 =	sshll.u32 s1, $0xD;
	s1 =	sshrl.u32 s1, $0x2  }
0xbb: {  	s3 =	sand.u32 $0x4000, s31;
	s1 =	sadd.s32 s1, s30  }
0xbc: {  	s0 =	sor.u32 s3, s0;
	s1 =	sshll.u32 s1, $0x11  }
0xbd: {  	s0 =	sor.u32 s1, s0  }
0xbe: {  	s0 =	sadd.s32 $0x8F2B, s0  }
0xbf: {  	[sflag:s0] =	ssyncadd.remote.s32 $0x1  }
0xc0: {  	_ =	sfence.sel $0xFFFF  }
0xc1: {  	[dreg:$0x0] =	wrdreg $0xFFFFFFFF;
	(pc) =	sbr.abs _section_cstart, $3  }
0xc2: {  	[dreg:$0x1] =	wrdreg $0xFFFFFFFF  }
0xc3: {  	_ =	task.clear_ibuf [dreg:s6], $0x2FFFF;
	_ =	strace $0x9FFFFFFF  }
0xc4: {  	(tm) =	ssettm $0x7FFFFFFF  }
0xc5: {  	_ =	shalt  }
tec
execute0_lowered:
.L_overlay_start_1:
0x0: {  	(tag) =	ssettag $0x1  }
0x1: {  	s1 =	rddreg [dreg:$0x0]  }
0x2: {  	s0 =	rddreg [dreg:$0x1]  }
0x3: {  	s2 =	srdreg.scid;
	s3 =	rddreg [dreg:$0x2]  }
0x4: {  	s4 =	rddreg [dreg:$0x3];
	s16 =	stileid.u32  }
0x5: {  	s5 =	simm.s32 $0x0;
	s30 =	simm.s32 $0x19000;
	s31 =	simm.s32 $0x3  }
0x6: {  	s2 =	sand.u32 $0x1, s2;
	[smem:$0x7FF] =	sst s5;
	s7 =	sadd.s32 $0x24D000, s1  }
0x7: {  	s8 =	sadd.s32 $0x189A00, s1;
	s11 =	sshll.u32 s16, $0xD;
	s29 =	sshll.u32 s16, $0x7  }
0x8: {  	s6 =	sshll.u32 s2, $0x4;
	_ =	strace $0x80000047;
	s2 =	ssub.s32 $0x2, s2  }
0x9: {  	s12 =	sor.u32 $0x800, s11;
	s14 =	sor.u32 $0x1000, s11;
	s15 =	sor.u32 $0x1800, s11  }
0xa: {  	s9 =	sor.u32 s16, s6;
	s20 =	sshrl.u32 s2, $0x1;
	s13 =	sadd.s32 s12, s0  }
0xb: {  	s21 =	sadd.s32 s14, s0;
	s22 =	sadd.s32 s15, s0;
	[dreg:$0x5] =	wrdreg s13  }
0xc: {  	s17 =	sadd.s32 s12, s3;
	s23 =	sadd.s32 s14, s3;
	[dreg:$0x6] =	wrdreg s21  }
0xd: {  	s24 =	sadd.s32 s15, s3;
	s25 =	sadd.s32 s12, s4;
	[dreg:$0x7] =	wrdreg s22  }
0xe: {  	s26 =	sadd.s32 s14, s4;
	s12 =	simm.s32 $0x2;
	[dreg:$0x8] =	wrdreg s17  }
0xf: {  	s14 =	simm.s32 $0xC4E0;
	s6 =	smul.u32 $0xC80, s9;
	[dreg:$0x9] =	wrdreg s23  }
0x10: {  	s9 =	sshll.u32 s9, $0xA;
	s2 =	ssub.s32 s2, s20;
	[dreg:$0xa] =	wrdreg s24  }
0x11: {  	s13 =	sadd.s32 s11, s3;
	s17 =	sadd.s32 s11, s4;
	[dreg:$0xb] =	wrdreg s25  }
0x12: {  	[dreg:$0xc] =	wrdreg s26;
	s20 =	sadd.s32 s15, s4;
	s15 =	simm.s32 $0xC670  }
0x13: {  	s28 =	smax.u32 s2, $0x1;
	s2 =	simm.s32 $0xC800;
	s10 =	sadd.s32 s6, s1  }
0x14: {  	s6 =	sadd.s32 $0xF45400, s1;
	s1 =	sadd.s32 s9, s1;
	s9 =	sadd.s32 s11, s0  }
0x15: {  	s11 =	simm.s32 $0x1;
	s21 =	sadd.s32 $0x35000, s10;
	s22 =	sadd.s32 $0x1C000, s10  }
0x16: {  	v0 =	vlaneseq.u32;
	s23 =	sadd.s32 $0x3000, s10;
	s24 =	sadd.s32 $0x5E000, s1;
	s25 =	sadd.s32 $0x56000, s1  }
0x17: {  	v1 =	vimm.f32 $0.0e+00;
	v0 =	vshrl.u32 v0, $0x3;
	s26 =	sadd.s32 $0x4E000, s1;
	s1 =	simm.s32 $0x190;
	s10 =	simm.s32 $0x12C00  }
.LBB2_1:
0x18: {  	s18 =	sadd.s32 $0x0, s29  }
0x19: {  	s16 =	simm.s32 $0x64C0;
	v2 =	vmov s18  }
0x1a: {  	[tilespmem:s16+$0xFFFFFF40] =	vst v2  }
0x1b: {  	[tilespmem:s16+$0xFFFFFF50] =	vst v2  }
0x1c: {  	[tilespmem:s16+$0xFFFFFF60] =	vst v2  }
0x1d: {  	[tilespmem:s16+$0xFFFFFF70] =	vst v2  }
0x1e: {  	[tilespmem:s16+$0xFFFFFF80] =	vst v2  }
0x1f: {  	[tilespmem:s16+$0xFFFFFF90] =	vst v2  }
0x20: {  	[tilespmem:s16+$0xFFFFFFA0] =	vst v2  }
0x21: {  	[tilespmem:s16+$0xFFFFFFB0] =	vst v2  }
0x22: {  	[tilespmem:s16+$0xFFFFFFC0] =	vst v2  }
0x23: {  	[tilespmem:s16+$0xFFFFFFD0] =	vst v2  }
0x24: {  	v3 =	vor.u32 $0x1, v2;
	[tilespmem:s16+$0xFFFFFFE0] =	vst v2  }
0x25: {  	[tilespmem:s16+$0xC0] =	vst v3  }
0x26: {  	[tilespmem:s16+$0x10] =	vst v3  }
0x27: {  	[tilespmem:s16+$0x20] =	vst v3  }
0x28: {  	[tilespmem:s16+$0x30] =	vst v3  }
0x29: {  	[tilespmem:s16+$0x40] =	vst v3  }
0x2a: {  	[tilespmem:s16+$0x50] =	vst v3  }
0x2b: {  	[tilespmem:s16+$0x60] =	vst v3  }
0x2c: {  	[tilespmem:s16+$0x70] =	vst v3  }
0x2d: {  	[tilespmem:s16+$0x80] =	vst v3  }
0x2e: {  	[tilespmem:s16+$0x90] =	vst v3  }
0x2f: {  	[tilespmem:s16+$0xA0] =	vst v3  }
0x30: {  	s19 =	sadd.s32 $0x2, s29;
	[tilespmem:s16+$0xB0] =	vst v3;
	v3 =	vor.u32 s18, v0;
	s18 =	simm.s32 $0x4  }
.LBB2_2:
0x31: {  	p0 =	sne.s32 s18, $0x7E;
	v4 =	vor.u32 s19, v0;
	[tilespmem:s16+$0xFFFFFFF0] =	vst v2;
	v2 =	vmov s19  }
0x32: {  	v5 =	vor.u32 $0x1, v2;
	[tilespmem:s16+$0x0] =	vst v3;
	s16 =	sadd.s32 $0x190, s16;
	v3 =	vmov v4  }
0x33: {  	[tilespmem:s16+$0xC0] =	vst v5  }
0x34: {  	[tilespmem:s16+$0x10] =	vst v5  }
0x35: {  	[tilespmem:s16+$0x20] =	vst v5  }
0x36: {  	[tilespmem:s16+$0x30] =	vst v5  }
0x37: {  	[tilespmem:s16+$0x40] =	vst v5  }
0x38: {  	[tilespmem:s16+$0x50] =	vst v5  }
0x39: {  	[tilespmem:s16+$0x60] =	vst v5  }
0x3a: {  	[tilespmem:s16+$0x70] =	vst v5  }
0x3b: {  	[tilespmem:s16+$0x80] =	vst v5  }
0x3c: {  	[tilespmem:s16+$0x90] =	vst v5  }
0x3d: {  	[tilespmem:s16+$0xA0] =	vst v5  }
0x3e: {  	[tilespmem:s16+$0xB0] =	vst v5  }
0x3f: {  	[tilespmem:s16+$0xFFFFFF40] =	vst v2  }
0x40: {  	[tilespmem:s16+$0xFFFFFF50] =	vst v2  }
0x41: {  	[tilespmem:s16+$0xFFFFFF60] =	vst v2  }
0x42: {  	[tilespmem:s16+$0xFFFFFF70] =	vst v2  }
0x43: {  	[tilespmem:s16+$0xFFFFFF80] =	vst v2  }
0x44: {  	[tilespmem:s16+$0xFFFFFF90] =	vst v2  }
.Ltmp0:
0x45: {  	[tilespmem:s16+$0xFFFFFFA0] =	vst v2;
	(pc) =	sbr.rel @p0 .LBB2_2-.Ltmp0, $4  }
0x46: {  	[tilespmem:s16+$0xFFFFFFB0] =	vst v2  }
0x47: {  	[tilespmem:s16+$0xFFFFFFC0] =	vst v2  }
0x48: {  	[tilespmem:s16+$0xFFFFFFD0] =	vst v2  }
0x49: {  	s19 =	sadd.s32 s18, s29;
	s18 =	sadd.s32 $0x2, s18;
	[tilespmem:s16+$0xFFFFFFE0] =	vst v2  }
0x4a: {  	[tilespmem:s16+$0xFFFFFFF0] =	vst v2  }
0x4b: {  	v4 =	vmov s19;
	[tilespmem:s16+$0x0] =	vst v3;
	s18 =	sadd.s32 $0x190, s16  }
0x4c: {  	[tilespmem:s18+$0xFFFFFF40] =	vst v4  }
0x4d: {  	[tilespmem:s18+$0xFFFFFF50] =	vst v4  }
0x4e: {  	[tilespmem:s18+$0xFFFFFF60] =	vst v4  }
0x4f: {  	[tilespmem:s18+$0xFFFFFF70] =	vst v4  }
0x50: {  	[tilespmem:s18+$0xFFFFFF80] =	vst v4  }
0x51: {  	[tilespmem:s18+$0xFFFFFF90] =	vst v4  }
0x52: {  	[tilespmem:s18+$0xFFFFFFA0] =	vst v4  }
0x53: {  	[tilespmem:s18+$0xFFFFFFB0] =	vst v4  }
0x54: {  	[tilespmem:s18+$0xFFFFFFC0] =	vst v4  }
0x55: {  	[tilespmem:s18+$0xFFFFFFD0] =	vst v4  }
0x56: {  	[tilespmem:s18+$0xFFFFFFE0] =	vst v4  }
0x57: {  	v2 =	vor.u32 $0x1, v4;
	[tilespmem:s18+$0xFFFFFFF0] =	vst v4  }
0x58: {  	[tilespmem:s18+$0xC0] =	vst v2  }
0x59: {  	[tilespmem:s18+$0x10] =	vst v2  }
0x5a: {  	[tilespmem:s18+$0x20] =	vst v2  }
0x5b: {  	[tilespmem:s18+$0x30] =	vst v2  }
0x5c: {  	[tilespmem:s18+$0x40] =	vst v2  }
0x5d: {  	[tilespmem:s18+$0x50] =	vst v2  }
0x5e: {  	[tilespmem:s18+$0x60] =	vst v2  }
0x5f: {  	[tilespmem:s18+$0x70] =	vst v2  }
0x60: {  	[tilespmem:s18+$0x80] =	vst v2  }
0x61: {  	[tilespmem:s18+$0x90] =	vst v2  }
0x62: {  	[tilespmem:s18+$0xA0] =	vst v2  }
0x63: {  	[tilespmem:s18+$0xB0] =	vst v2;
	v2 =	vor.u32 s19, v0  }
0x64: {  	s16 =	simm.s32 $0x0;
	[tilespmem:s18+$0x0] =	vst v2;
	s18 =	simm.s32 $0x100  }
.LBB2_4:
0x65: {  	p0 =	sne.s32 s18, $0x1F00;
	[tilespmem:s16+$0x19030] =	vst v1;
	s19 =	smov.u32 s18;
	s18 =	sadd.s32 $0x100, s18  }
.Ltmp1:
0x66: {  	[tilespmem:s16+$0x19020] =	vst v1;
	(pc) =	sbr.rel @p0 .LBB2_4-.Ltmp1, $3  }
0x67: {  	[tilespmem:s16+$0x19000] =	vst v1  }
0x68: {  	[tilespmem:s16+$0x19010] =	vst v1;
	_ =	sdelay $0x1  }
0x69: {  	s16 =	sshra.s32 s19, $0x2  }
0x6a: {  	[tilespmem:s16+$0x19030] =	vst v1  }
0x6b: {  	[tilespmem:s16+$0x19020] =	vst v1  }
0x6c: {  	[tilespmem:s16+$0x19000] =	vst v1  }
0x6d: {  	[tilespmem:s16+$0x19010] =	vst v1  }
0x6e: {  	[spmem:s9] =	stream.linear.scatter [tilespmem:s30], [sflag:$0x3], $0x800, $0x38;
	[tilespmem:$0x1F800] =	vst v63  }
0x6f: {  	_ =	swait.ge [sflag:s31], $0x800  }
0x70: {  	[sflag:s31] =	ssyncset.done $0x0  }
0x71: {  	s18 =	rddreg [dreg:$0x5];
	[sflag:s31] =	ssyncadd.s32 $0xFFFFF800  }
0x72: {  	[spmem:s18] =	stream.linear.scatter [tilespmem:s30], [sflag:$0x3], $0x800, $0x38;
	[tilespmem:$0x1F800] =	vst v63  }
0x73: {  	_ =	swait.ge [sflag:s31], $0x800  }
0x74: {  	[sflag:s31] =	ssyncset.done $0x0  }
0x75: {  	s19 =	rddreg [dreg:$0x6];
	[sflag:s31] =	ssyncadd.s32 $0xFFFFF800  }
0x76: {  	[spmem:s19] =	stream.linear.scatter [tilespmem:s30], [sflag:$0x3], $0x800, $0x38;
	[tilespmem:$0x1F800] =	vst v63  }
0x77: {  	_ =	swait.ge [sflag:s31], $0x800  }
0x78: {  	[sflag:s31] =	ssyncset.done $0x0  }
0x79: {  	s18 =	rddreg [dreg:$0x7];
	[sflag:s31] =	ssyncadd.s32 $0xFFFFF800  }
0x7a: {  	[spmem:s18] =	stream.linear.scatter [tilespmem:s30], [sflag:$0x3], $0x800, $0x38;
	[tilespmem:$0x1F800] =	vst v63  }
0x7b: {  	_ =	swait.ge [sflag:s31], $0x800  }
0x7c: {  	[sflag:s31] =	ssyncset.done $0x0  }
0x7d: {  	[sflag:s31] =	ssyncadd.s32 $0xFFFFF800  }
0x7e: {  	[spmem:s13] =	stream.linear.scatter [tilespmem:s30], [sflag:$0x3], $0x800, $0x38;
	[tilespmem:$0x1F800] =	vst v63  }
0x7f: {  	_ =	swait.ge [sflag:s31], $0x800  }
0x80: {  	[sflag:s31] =	ssyncset.done $0x0  }
0x81: {  	s19 =	rddreg [dreg:$0x8];
	[sflag:s31] =	ssyncadd.s32 $0xFFFFF800  }
0x82: {  	[spmem:s19] =	stream.linear.scatter [tilespmem:s30], [sflag:$0x3], $0x800, $0x38;
	[tilespmem:$0x1F800] =	vst v63  }
0x83: {  	_ =	swait.ge [sflag:s31], $0x800  }
0x84: {  	[sflag:s31] =	ssyncset.done $0x0  }
0x85: {  	s18 =	rddreg [dreg:$0x9];
	[sflag:s31] =	ssyncadd.s32 $0xFFFFF800  }
0x86: {  	[spmem:s18] =	stream.linear.scatter [tilespmem:s30], [sflag:$0x3], $0x800, $0x38;
	[tilespmem:$0x1F800] =	vst v63  }
0x87: {  	_ =	swait.ge [sflag:s31], $0x800  }
0x88: {  	[sflag:s31] =	ssyncset.done $0x0  }
0x89: {  	s19 =	rddreg [dreg:$0xa];
	[sflag:s31] =	ssyncadd.s32 $0xFFFFF800  }
0x8a: {  	[spmem:s19] =	stream.linear.scatter [tilespmem:s30], [sflag:$0x3], $0x800, $0x38;
	[tilespmem:$0x1F800] =	vst v63  }
0x8b: {  	_ =	swait.ge [sflag:s31], $0x800  }
0x8c: {  	[sflag:s31] =	ssyncset.done $0x0  }
0x8d: {  	[sflag:s31] =	ssyncadd.s32 $0xFFFFF800  }
0x8e: {  	[spmem:s17] =	stream.linear.scatter [tilespmem:s30], [sflag:$0x3], $0x800, $0x38;
	[tilespmem:$0x1F800] =	vst v63  }
0x8f: {  	_ =	swait.ge [sflag:s31], $0x800  }
0x90: {  	[sflag:s31] =	ssyncset.done $0x0  }
0x91: {  	s18 =	rddreg [dreg:$0xb];
	[sflag:s31] =	ssyncadd.s32 $0xFFFFF800  }
0x92: {  	[spmem:s18] =	stream.linear.scatter [tilespmem:s30], [sflag:$0x3], $0x800, $0x38;
	[tilespmem:$0x1F800] =	vst v63  }
0x93: {  	_ =	swait.ge [sflag:s31], $0x800  }
0x94: {  	[sflag:s31] =	ssyncset.done $0x0  }
0x95: {  	s19 =	rddreg [dreg:$0xc];
	[sflag:s31] =	ssyncadd.s32 $0xFFFFF800  }
0x96: {  	[spmem:s19] =	stream.linear.scatter [tilespmem:s30], [sflag:$0x3], $0x800, $0x38;
	[tilespmem:$0x1F800] =	vst v63  }
0x97: {  	_ =	swait.ge [sflag:s31], $0x800  }
0x98: {  	[sflag:s31] =	ssyncset.done $0x0  }
0x99: {  	[sflag:s31] =	ssyncadd.s32 $0xFFFFF800  }
0x9a: {  	[spmem:s20] =	stream.linear.scatter [tilespmem:s30], [sflag:$0x3], $0x800, $0x38;
	[tilespmem:$0x1F800] =	vst v63  }
0x9b: {  	_ =	swait.ge [sflag:s31], $0x800  }
0x9c: {  	[sflag:s31] =	ssyncset.done $0x0  }
0x9d: {  	s18 =	simm.s32 $0x0;
	[sflag:s31] =	ssyncadd.s32 $0xFFFFF800  }
0x9e: {  	[tilespmem:s18], [sflag:$0x3] =	stream.linear.gather [hbm4b:s21+s18], $0x6400, $0x38;
	[tilespmem:$0x1F800] =	vst v63  }
0x9f: {  	_ =	swait.ge [sflag:s31], $0x6400  }
0xa0: {  	[sflag:s31] =	ssyncset.done $0x0  }
0xa1: {  	[sflag:s31] =	ssyncadd.s32 $0xFFFF9C00  }
0xa2: {  	[tilespmem:s2], [sflag:$0x1] =	stream.indirect.gather [hbm4b:s6+s1], $0x40, s18, s1, $0xb8;
	[tilespmem:$0x1F800] =	vst v63  }
0xa3: {  	_ = 	snop  }
0xa4: {  	[tilespmem:s10], [sflag:$0x2] =	stream.indirect.gather [hbm4b:s6+s1], $0x40, s1, s1, $0xb8;
	[tilespmem:$0x1F800] =	vst v63  }
0xa5: {  	_ =	swait.ge [sflag:s11], $0x6400  }
0xa6: {  	[sflag:s11] =	ssyncset.done $0x0  }
0xa7: {  	s19 =	simm.s32 $0x6400;
	[sflag:s11] =	ssyncadd.s32 $0xFFFF9C00  }
0xa8: {  	[spmem:s0] =	stream.indirect.scatter.add.f32 [tilespmem:s2], [sflag:$0x3], $0x40, s19, s1, $0xb8;
	[tilespmem:$0x1F800] =	vst v63  }
0xa9: {  	_ =	swait.ge [sflag:s31], $0x6400  }
0xaa: {  	[sflag:s31] =	ssyncset.done $0x0  }
0xab: {  	s18 =	simm.s32 $0x320;
	[sflag:s31] =	ssyncadd.s32 $0xFFFF9C00  }
0xac: {  	[tilespmem:s2], [sflag:$0x1] =	stream.indirect.gather [hbm4b:s6+s1], $0x40, s18, s1, $0xb8;
	[tilespmem:$0x1F800] =	vst v63  }
0xad: {  	_ =	swait.ge [sflag:s12], $0x6400  }
0xae: {  	[sflag:s12] =	ssyncset.done $0x0  }
0xaf: {  	s19 =	simm.s32 $0x6590;
	[sflag:s12] =	ssyncadd.s32 $0xFFFF9C00  }
0xb0: {  	[spmem:s0] =	stream.indirect.scatter.add.f32 [tilespmem:s10], [sflag:$0x3], $0x40, s19, s1, $0xb8;
	[tilespmem:$0x1F800] =	vst v63  }
0xb1: {  	_ =	swait.ge [sflag:s31], $0x6400  }
0xb2: {  	[sflag:s31] =	ssyncset.done $0x0  }
0xb3: {  	s16 =	simm.s32 $0xC80;
	s18 =	simm.s32 $0x4B0;
	[sflag:s31] =	ssyncadd.s32 $0xFFFF9C00  }
.LBB2_6:
0xb4: {  	[tilespmem:s10], [sflag:$0x2] =	stream.indirect.gather [hbm4b:s6+s1], $0x40, s18, s1, $0xb8;
	[tilespmem:$0x1F800] =	vst v63  }
0xb5: {  	s18 =	smov.u32 s16  }
0xb6: {  	p0 =	sne.s32 s16, $0x17700;
	s16 =	sadd.s32 $0xC80, s16;
	_ =	swait.ge [sflag:s11], $0x6400  }
0xb7: {  	s18 =	sshra.s32 s18, $0x2;
	[sflag:s11] =	ssyncset.done $0x0  }
0xb8: {  	s19 =	sadd.s32 $0x6400, s18;
	[sflag:s11] =	ssyncadd.s32 $0xFFFF9C00  }
0xb9: {  	[spmem:s0] =	stream.indirect.scatter.add.f32 [tilespmem:s2], [sflag:$0x3], $0x40, s19, s1, $0xb8;
	[tilespmem:$0x1F800] =	vst v63  }
0xba: {  	_ =	swait.ge [sflag:s31], $0x6400  }
0xbb: {  	[sflag:s31] =	ssyncset.done $0x0  }
0xbc: {  	s19 =	sadd.s32 $0x320, s18;
	[sflag:s31] =	ssyncadd.s32 $0xFFFF9C00  }
0xbd: {  	[tilespmem:s2], [sflag:$0x1] =	stream.indirect.gather [hbm4b:s6+s1], $0x40, s19, s1, $0xb8;
	[tilespmem:$0x1F800] =	vst v63  }
0xbe: {  	_ =	swait.ge [sflag:s12], $0x6400  }
0xbf: {  	[sflag:s12] =	ssyncset.done $0x0  }
.Ltmp2:
0xc0: {  	s19 =	sadd.s32 $0x6590, s18;
	[sflag:s12] =	ssyncadd.s32 $0xFFFF9C00;
	(pc) =	sbr.rel @p0 .LBB2_6-.Ltmp2, $4  }
0xc1: {  	[spmem:s0] =	stream.indirect.scatter.add.f32 [tilespmem:s10], [sflag:$0x3], $0x40, s19, s1, $0xb8;
	[tilespmem:$0x1F800] =	vst v63  }
0xc2: {  	_ =	swait.ge [sflag:s31], $0x6400  }
0xc3: {  	[sflag:s31] =	ssyncset.done $0x0  }
0xc4: {  	s18 =	sadd.s32 $0x4B0, s18;
	[sflag:s31] =	ssyncadd.s32 $0xFFFF9C00  }
0xc5: {  	[tilespmem:s10], [sflag:$0x2] =	stream.indirect.gather [hbm4b:s6+s1], $0x40, s18, s1, $0xb8;
	[tilespmem:$0x1F800] =	vst v63  }
0xc6: {  	_ =	swait.ge [sflag:s11], $0x6400  }
0xc7: {  	[sflag:s11] =	ssyncset.done $0x0  }
0xc8: {  	[sflag:s11] =	ssyncadd.s32 $0xFFFF9C00  }
0xc9: {  	[spmem:s0] =	stream.indirect.scatter.add.f32 [tilespmem:s2], [sflag:$0x3], $0x40, s14, s1, $0xb8;
	[tilespmem:$0x1F800] =	vst v63  }
0xca: {  	_ =	swait.ge [sflag:s31], $0x6400  }
0xcb: {  	[sflag:s31] =	ssyncset.done $0x0  }
0xcc: {  	[sflag:s31] =	ssyncadd.s32 $0xFFFF9C00  }
0xcd: {  	_ =	swait.ge [sflag:s12], $0x6400  }
0xce: {  	[sflag:s12] =	ssyncset.done $0x0  }
0xcf: {  	[sflag:s12] =	ssyncadd.s32 $0xFFFF9C00  }
0xd0: {  	[spmem:s0] =	stream.indirect.scatter.add.f32 [tilespmem:s10], [sflag:$0x3], $0x40, s15, s1, $0xb8;
	[tilespmem:$0x1F800] =	vst v63  }
0xd1: {  	_ =	swait.ge [sflag:s31], $0x6400  }
0xd2: {  	[sflag:s31] =	ssyncset.done $0x0  }
0xd3: {  	s16 =	simm.s32 $0x0;
	[sflag:s31] =	ssyncadd.s32 $0xFFFF9C00  }
0xd4: {  	[tilespmem:s16], [sflag:$0x3] =	stream.linear.gather [hbm4b:s22+s16], $0x6400, $0x38;
	[tilespmem:$0x1F800] =	vst v63  }
0xd5: {  	_ =	swait.ge [sflag:s31], $0x6400  }
0xd6: {  	[sflag:s31] =	ssyncset.done $0x0  }
0xd7: {  	[sflag:s31] =	ssyncadd.s32 $0xFFFF9C00  }
0xd8: {  	[tilespmem:s2], [sflag:$0x1] =	stream.indirect.gather [hbm4b:s7+s1], $0x40, s16, s1, $0xb8;
	[tilespmem:$0x1F800] =	vst v63  }
0xd9: {  	_ = 	snop  }
0xda: {  	[tilespmem:s10], [sflag:$0x2] =	stream.indirect.gather [hbm4b:s7+s1], $0x40, s1, s1, $0xb8;
	[tilespmem:$0x1F800] =	vst v63  }
0xdb: {  	_ =	swait.ge [sflag:s11], $0x6400  }
0xdc: {  	[sflag:s11] =	ssyncset.done $0x0  }
0xdd: {  	s19 =	simm.s32 $0x6400;
	[sflag:s11] =	ssyncadd.s32 $0xFFFF9C00  }
0xde: {  	[spmem:s3] =	stream.indirect.scatter.add.f32 [tilespmem:s2], [sflag:$0x3], $0x40, s19, s1, $0xb8;
	[tilespmem:$0x1F800] =	vst v63  }
0xdf: {  	_ =	swait.ge [sflag:s31], $0x6400  }
0xe0: {  	[sflag:s31] =	ssyncset.done $0x0  }
0xe1: {  	s18 =	simm.s32 $0x320;
	[sflag:s31] =	ssyncadd.s32 $0xFFFF9C00  }
0xe2: {  	[tilespmem:s2], [sflag:$0x1] =	stream.indirect.gather [hbm4b:s7+s1], $0x40, s18, s1, $0xb8;
	[tilespmem:$0x1F800] =	vst v63  }
0xe3: {  	_ =	swait.ge [sflag:s12], $0x6400  }
0xe4: {  	[sflag:s12] =	ssyncset.done $0x0  }
0xe5: {  	s19 =	simm.s32 $0x6590;
	[sflag:s12] =	ssyncadd.s32 $0xFFFF9C00  }
0xe6: {  	[spmem:s3] =	stream.indirect.scatter.add.f32 [tilespmem:s10], [sflag:$0x3], $0x40, s19, s1, $0xb8;
	[tilespmem:$0x1F800] =	vst v63  }
0xe7: {  	_ =	swait.ge [sflag:s31], $0x6400  }
0xe8: {  	[sflag:s31] =	ssyncset.done $0x0  }
0xe9: {  	s16 =	simm.s32 $0xC80;
	s18 =	simm.s32 $0x4B0;
	[sflag:s31] =	ssyncadd.s32 $0xFFFF9C00  }
.LBB2_8:
0xea: {  	[tilespmem:s10], [sflag:$0x2] =	stream.indirect.gather [hbm4b:s7+s1], $0x40, s18, s1, $0xb8;
	[tilespmem:$0x1F800] =	vst v63  }
0xeb: {  	s18 =	smov.u32 s16  }
0xec: {  	p0 =	sne.s32 s16, $0x17700;
	s16 =	sadd.s32 $0xC80, s16;
	_ =	swait.ge [sflag:s11], $0x6400  }
0xed: {  	s18 =	sshra.s32 s18, $0x2;
	[sflag:s11] =	ssyncset.done $0x0  }
0xee: {  	s19 =	sadd.s32 $0x6400, s18;
	[sflag:s11] =	ssyncadd.s32 $0xFFFF9C00  }
0xef: {  	[spmem:s3] =	stream.indirect.scatter.add.f32 [tilespmem:s2], [sflag:$0x3], $0x40, s19, s1, $0xb8;
	[tilespmem:$0x1F800] =	vst v63  }
0xf0: {  	_ =	swait.ge [sflag:s31], $0x6400  }
0xf1: {  	[sflag:s31] =	ssyncset.done $0x0  }
0xf2: {  	s19 =	sadd.s32 $0x320, s18;
	[sflag:s31] =	ssyncadd.s32 $0xFFFF9C00  }
0xf3: {  	[tilespmem:s2], [sflag:$0x1] =	stream.indirect.gather [hbm4b:s7+s1], $0x40, s19, s1, $0xb8;
	[tilespmem:$0x1F800] =	vst v63  }
0xf4: {  	_ =	swait.ge [sflag:s12], $0x6400  }
0xf5: {  	[sflag:s12] =	ssyncset.done $0x0  }
.Ltmp3:
0xf6: {  	s19 =	sadd.s32 $0x6590, s18;
	[sflag:s12] =	ssyncadd.s32 $0xFFFF9C00;
	(pc) =	sbr.rel @p0 .LBB2_8-.Ltmp3, $4  }
0xf7: {  	[spmem:s3] =	stream.indirect.scatter.add.f32 [tilespmem:s10], [sflag:$0x3], $0x40, s19, s1, $0xb8;
	[tilespmem:$0x1F800] =	vst v63  }
0xf8: {  	_ =	swait.ge [sflag:s31], $0x6400  }
0xf9: {  	[sflag:s31] =	ssyncset.done $0x0  }
0xfa: {  	s18 =	sadd.s32 $0x4B0, s18;
	[sflag:s31] =	ssyncadd.s32 $0xFFFF9C00  }
0xfb: {  	[tilespmem:s10], [sflag:$0x2] =	stream.indirect.gather [hbm4b:s7+s1], $0x40, s18, s1, $0xb8;
	[tilespmem:$0x1F800] =	vst v63  }
0xfc: {  	_ =	swait.ge [sflag:s11], $0x6400  }
0xfd: {  	[sflag:s11] =	ssyncset.done $0x0  }
0xfe: {  	[sflag:s11] =	ssyncadd.s32 $0xFFFF9C00  }
0xff: {  	[spmem:s3] =	stream.indirect.scatter.add.f32 [tilespmem:s2], [sflag:$0x3], $0x40, s14, s1, $0xb8;
	[tilespmem:$0x1F800] =	vst v63  }
0x100: {  	_ =	swait.ge [sflag:s31], $0x6400  }
0x101: {  	[sflag:s31] =	ssyncset.done $0x0  }
0x102: {  	[sflag:s31] =	ssyncadd.s32 $0xFFFF9C00  }
0x103: {  	_ =	swait.ge [sflag:s12], $0x6400  }
0x104: {  	[sflag:s12] =	ssyncset.done $0x0  }
0x105: {  	[sflag:s12] =	ssyncadd.s32 $0xFFFF9C00  }
0x106: {  	[spmem:s3] =	stream.indirect.scatter.add.f32 [tilespmem:s10], [sflag:$0x3], $0x40, s15, s1, $0xb8;
	[tilespmem:$0x1F800] =	vst v63  }
0x107: {  	_ =	swait.ge [sflag:s31], $0x6400  }
0x108: {  	[sflag:s31] =	ssyncset.done $0x0  }
0x109: {  	s16 =	simm.s32 $0x0;
	[sflag:s31] =	ssyncadd.s32 $0xFFFF9C00  }
0x10a: {  	[tilespmem:s16], [sflag:$0x3] =	stream.linear.gather [hbm4b:s23+s16], $0x6400, $0x38;
	[tilespmem:$0x1F800] =	vst v63  }
0x10b: {  	_ =	swait.ge [sflag:s31], $0x6400  }
0x10c: {  	[sflag:s31] =	ssyncset.done $0x0  }
0x10d: {  	[sflag:s31] =	ssyncadd.s32 $0xFFFF9C00  }
0x10e: {  	[tilespmem:s2], [sflag:$0x1] =	stream.indirect.gather [hbm4b:s8+s1], $0x40, s16, s1, $0xb8;
	[tilespmem:$0x1F800] =	vst v63  }
0x10f: {  	_ = 	snop  }
0x110: {  	[tilespmem:s10], [sflag:$0x2] =	stream.indirect.gather [hbm4b:s8+s1], $0x40, s1, s1, $0xb8;
	[tilespmem:$0x1F800] =	vst v63  }
0x111: {  	_ =	swait.ge [sflag:s11], $0x6400  }
0x112: {  	[sflag:s11] =	ssyncset.done $0x0  }
0x113: {  	s19 =	simm.s32 $0x6400;
	[sflag:s11] =	ssyncadd.s32 $0xFFFF9C00  }
0x114: {  	[spmem:s4] =	stream.indirect.scatter.add.f32 [tilespmem:s2], [sflag:$0x3], $0x40, s19, s1, $0xb8;
	[tilespmem:$0x1F800] =	vst v63  }
0x115: {  	_ =	swait.ge [sflag:s31], $0x6400  }
0x116: {  	[sflag:s31] =	ssyncset.done $0x0  }
0x117: {  	s18 =	simm.s32 $0x320;
	[sflag:s31] =	ssyncadd.s32 $0xFFFF9C00  }
0x118: {  	[tilespmem:s2], [sflag:$0x1] =	stream.indirect.gather [hbm4b:s8+s1], $0x40, s18, s1, $0xb8;
	[tilespmem:$0x1F800] =	vst v63  }
0x119: {  	_ =	swait.ge [sflag:s12], $0x6400  }
0x11a: {  	[sflag:s12] =	ssyncset.done $0x0  }
0x11b: {  	s19 =	simm.s32 $0x6590;
	[sflag:s12] =	ssyncadd.s32 $0xFFFF9C00  }
0x11c: {  	[spmem:s4] =	stream.indirect.scatter.add.f32 [tilespmem:s10], [sflag:$0x3], $0x40, s19, s1, $0xb8;
	[tilespmem:$0x1F800] =	vst v63  }
0x11d: {  	_ =	swait.ge [sflag:s31], $0x6400  }
0x11e: {  	[sflag:s31] =	ssyncset.done $0x0  }
0x11f: {  	s16 =	simm.s32 $0xC80;
	s18 =	simm.s32 $0x4B0;
	[sflag:s31] =	ssyncadd.s32 $0xFFFF9C00  }
.LBB2_10:
0x120: {  	[tilespmem:s10], [sflag:$0x2] =	stream.indirect.gather [hbm4b:s8+s1], $0x40, s18, s1, $0xb8;
	[tilespmem:$0x1F800] =	vst v63  }
0x121: {  	s18 =	smov.u32 s16  }
0x122: {  	p0 =	sne.s32 s16, $0x17700;
	s16 =	sadd.s32 $0xC80, s16;
	_ =	swait.ge [sflag:s11], $0x6400  }
0x123: {  	s18 =	sshra.s32 s18, $0x2;
	[sflag:s11] =	ssyncset.done $0x0  }
0x124: {  	s19 =	sadd.s32 $0x6400, s18;
	[sflag:s11] =	ssyncadd.s32 $0xFFFF9C00  }
0x125: {  	[spmem:s4] =	stream.indirect.scatter.add.f32 [tilespmem:s2], [sflag:$0x3], $0x40, s19, s1, $0xb8;
	[tilespmem:$0x1F800] =	vst v63  }
0x126: {  	_ =	swait.ge [sflag:s31], $0x6400  }
0x127: {  	[sflag:s31] =	ssyncset.done $0x0  }
0x128: {  	s19 =	sadd.s32 $0x320, s18;
	[sflag:s31] =	ssyncadd.s32 $0xFFFF9C00  }
0x129: {  	[tilespmem:s2], [sflag:$0x1] =	stream.indirect.gather [hbm4b:s8+s1], $0x40, s19, s1, $0xb8;
	[tilespmem:$0x1F800] =	vst v63  }
0x12a: {  	_ =	swait.ge [sflag:s12], $0x6400  }
0x12b: {  	[sflag:s12] =	ssyncset.done $0x0  }
.Ltmp4:
0x12c: {  	s19 =	sadd.s32 $0x6590, s18;
	[sflag:s12] =	ssyncadd.s32 $0xFFFF9C00;
	(pc) =	sbr.rel @p0 .LBB2_10-.Ltmp4, $4  }
0x12d: {  	[spmem:s4] =	stream.indirect.scatter.add.f32 [tilespmem:s10], [sflag:$0x3], $0x40, s19, s1, $0xb8;
	[tilespmem:$0x1F800] =	vst v63  }
0x12e: {  	_ =	swait.ge [sflag:s31], $0x6400  }
0x12f: {  	[sflag:s31] =	ssyncset.done $0x0  }
0x130: {  	s18 =	sadd.s32 $0x4B0, s18;
	[sflag:s31] =	ssyncadd.s32 $0xFFFF9C00  }
0x131: {  	[tilespmem:s10], [sflag:$0x2] =	stream.indirect.gather [hbm4b:s8+s1], $0x40, s18, s1, $0xb8;
	[tilespmem:$0x1F800] =	vst v63  }
0x132: {  	_ =	swait.ge [sflag:s11], $0x6400  }
0x133: {  	[sflag:s11] =	ssyncset.done $0x0  }
0x134: {  	[sflag:s11] =	ssyncadd.s32 $0xFFFF9C00  }
0x135: {  	[spmem:s4] =	stream.indirect.scatter.add.f32 [tilespmem:s2], [sflag:$0x3], $0x40, s14, s1, $0xb8;
	[tilespmem:$0x1F800] =	vst v63  }
0x136: {  	_ =	swait.ge [sflag:s31], $0x6400  }
0x137: {  	[sflag:s31] =	ssyncset.done $0x0  }
0x138: {  	[sflag:s31] =	ssyncadd.s32 $0xFFFF9C00  }
0x139: {  	_ =	swait.ge [sflag:s12], $0x6400  }
0x13a: {  	[sflag:s12] =	ssyncset.done $0x0  }
0x13b: {  	[sflag:s12] =	ssyncadd.s32 $0xFFFF9C00  }
0x13c: {  	[spmem:s4] =	stream.indirect.scatter.add.f32 [tilespmem:s10], [sflag:$0x3], $0x40, s15, s1, $0xb8;
	[tilespmem:$0x1F800] =	vst v63  }
0x13d: {  	s16 =	stileid.u32;
	_ =	swait.ge [sflag:s31], $0x6400  }
0x13e: {  	s16 =	sshll.u32 s16, $0x6;
	[sflag:s31] =	ssyncset.done $0x0  }
0x13f: {  	s19 =	sshrl.u32 s9, $0x3;
	s16 =	sor.u32 $0x1C03, s16;
	[sflag:s31] =	ssyncadd.s32 $0xFFFF9C00  }
0x140: {  	[hbm:s24], [sflag:s16] =	dma.local [spmem:s19], $0x400  }
0x141: {  	_ =	swait.ge [sflag:s31], $0x400  }
0x142: {  	[sflag:s31] =	ssyncset.done $0x0  }
0x143: {  	s19 =	sshrl.u32 s13, $0x3;
	[sflag:s31] =	ssyncadd.s32 $0xFFFFFC00  }
0x144: {  	[hbm:s25], [sflag:s16] =	dma.local [spmem:s19], $0x400  }
0x145: {  	s5 =	sadd.s32 $0x1, s5;
	_ =	swait.ge [sflag:s31], $0x400  }
0x146: {  	p0 =	sne.s32 s5, s28;
	[sflag:s31] =	ssyncset.done $0x0  }
.Ltmp5:
0x147: {  	s19 =	sshrl.u32 s17, $0x3;
	[sflag:s31] =	ssyncadd.s32 $0xFFFFFC00;
	(pc) =	sbr.rel @p0 .LBB2_1-.Ltmp5, $4  }
0x148: {  	[hbm:s26], [sflag:s16] =	dma.local [spmem:s19], $0x400  }
0x149: {  	_ =	swait.ge [sflag:s31], $0x400  }
0x14a: {  	[sflag:s31] =	ssyncset.done $0x0  }
0x14b: {  	[sflag:s31] =	ssyncadd.s32 $0xFFFFFC00  }
0x14c: {  	_ =	sfence.sel $0x180000  }
0x14d: {  	[bflag:$0x0] =	sbarrier.arrive $0xFFFF  }
0x14e: {  	_ =	strace $0x90000047  }
0x14f: {  	s0 =	stileid.u32;
	[bflag:$0x2] =	sbarrier.arrive $0xFFFF  }
0x150: {  	p0 =	sne.s32 s0, $0x0;
	s0 =	rddreg [dreg:$0x4]  }
0x151: {  	s0 =	sadd.s32 @!p0 $0x100000, s0  }
0x152: {  	[sflag:s0] =	ssyncadd.tile.s32 @!p0 $0x1;
	_ =	shalt  }
.Lfunc_end2:
_tile_overlayer_lowered:
.L_overlay_start_2:
0x153: {  	(tag) =	ssettag $0x2  }
0x154: {  	s0 =	rddreg [dreg:$0x0];
	s2 =	stileid.u32  }
0x155: {  	s1 =	rddreg [dreg:$0x1];
	p0 =	sne.s32 s2, $0x0  }
0x156: {  	s3 =	rddreg [dreg:$0x2];
	[bflag:$0x3] =	sbarrier.arrive $0xFFFF;
	s2 =	simm.s32 @!p0 $0x1C03  }
0x157: {  	[timem:s3], [sflag:s2] =	dma.local @!p0 [hbm:s0], s1  }
0x158: {  	s0 =	simm.s32 @!p0 $0x3  }
0x159: {  	_ =	swait.ge @!p0 [sflag:s0], s1  }
0x15a: {  	s1 =	ssub.s32 @!p0 $0x0, s1;
	[sflag:s0] =	ssyncset.done @!p0 $0x0  }
0x15b: {  	[sflag:s0] =	ssyncadd.s32 @!p0 s1  }
0x15c: {  	[bflag:$0x3] =	sbarrier.arrive $0xFFFF  }
0x15d: {  	_ =	shalt  }

</sc_bundles>
